<compile_context>
chip_gen: v7x
topology: tpu7x:2x2x1
jax: 0.10.2.dev20260603
libtpu: 0.0.44.dev20260713+nightly
codegen_flags: <defaults>
</compile_context>

<pallas_src>
import functools

import jax
import jax.numpy as jnp
from jax import lax
from jax.experimental import pallas as pl
from jax.experimental.pallas import tpu as pltpu
from jax.experimental.pallas import tpu_sc as plsc

N = 10000
E = 320000
D = 128

NC = 2
NS = 16
NW = NC * NS
CH = 112
G = 6
NG0 = 28
NG1 = 2
TOTG = NS * (NG0 + NG1)
LA = 2
DS = 1
NB = LA + DS
E_PAD = TOTG * G * CH
N_PAD = 10112
ZR = N_PAD // NS
EV = E // NW // 16

_mesh = plsc.VectorSubcoreMesh(core_axis_name="c", subcore_axis_name="s")


@functools.partial(
    pl.kernel,
    out_type=jax.ShapeDtypeStruct((NW, N_PAD), jnp.float32),
    mesh=_mesh,
    scratch_types=[
        pltpu.VMEM((EV, 16), jnp.int32),
        pltpu.VMEM((N_PAD,), jnp.float32),
    ],
    compiler_params=pltpu.CompilerParams(needs_layout_passes=False),
)
def _deg_kernel(dst_hbm, out_hbm, idx_v, cnt_v):
    c = lax.axis_index("c")
    s = lax.axis_index("s")
    w = c * NS + s
    pltpu.sync_copy(dst_hbm.at[w], idx_v)

    zeros16 = jnp.zeros((16,), jnp.float32)

    def zbody(i, carry):
        cnt_v[pl.ds(i * 16, 16)] = zeros16
        return carry

    lax.fori_loop(0, N_PAD // 16, zbody, 0)

    ones16 = jnp.ones((16,), jnp.float32)

    def body(i, carry):
        plsc.addupdate_scatter(cnt_v, [idx_v[i]], ones16)
        return carry

    lax.fori_loop(0, EV, body, 0)
    pltpu.sync_copy(cnt_v, out_hbm.at[w])


@functools.partial(
    pl.kernel,
    out_type=jax.ShapeDtypeStruct((NC, N_PAD, D), jnp.float32),
    mesh=_mesh,
    scratch_types=[
        pltpu.VMEM((2, G, CH), jnp.int32),
        pltpu.VMEM((2, G, CH), jnp.int32),
        pltpu.VMEM((NB, CH, D), jnp.float32),
        pltpu.VMEM_SHARED((N_PAD, D), jnp.float32),
        pltpu.SemaphoreType.DMA((NB,)),
        pltpu.SemaphoreType.DMA((NB,)),
        pltpu.SemaphoreType.DMA,
    ],
)
def _scatter_kernel(y_hbm, src_hbm, dst_hbm, zeros_hbm, out_hbm,
                    sidx, didx, rows, acc, sem_g, sem_s, sem_idx):
    c = lax.axis_index("c")
    s = lax.axis_index("s")
    ng = lax.select(c == 0, NG0, NG1)
    cpw = ng * G
    bg = lax.select(c == 0, s * NG0, NS * NG0 + s * NG1)
    pltpu.sync_copy(zeros_hbm.at[pl.ds(s * ZR, ZR)], acc.at[pl.ds(s * ZR, ZR)])

    def stage(g):
        gb = lax.rem(g, 2)
        gi = jnp.minimum(bg + g, TOTG - 1)
        pltpu.async_copy(src_hbm.at[gi], sidx.at[gb], sem_idx)
        pltpu.async_copy(dst_hbm.at[gi], didx.at[gb], sem_idx)

    def stage_wait(n):
        for _ in range(n):
            pltpu.make_async_copy(src_hbm.at[bg], sidx.at[0], sem_idx).wait()

    def fire_g(j):
        rb = lax.rem(j, NB)
        gb = lax.rem(j // G, 2)
        pltpu.async_copy(y_hbm.at[sidx.at[gb, lax.rem(j, G)]], rows.at[rb],
                         sem_g.at[rb])

    def wait_g(rb):
        pltpu.make_async_copy(y_hbm.at[sidx.at[0, 0]], rows.at[rb],
                              sem_g.at[rb]).wait()

    def fire_s(j):
        rb = lax.rem(j, NB)
        gb = lax.rem(j // G, 2)
        pltpu.async_copy(rows.at[rb], acc.at[didx.at[gb, lax.rem(j, G)]],
                         sem_s.at[rb], add=True)

    def wait_s(rb):
        pltpu.make_async_copy(rows.at[rb], acc.at[didx.at[0, 0]],
                              sem_s.at[rb]).wait()

    plsc.subcore_barrier()

    @pl.when(ng > 0)
    def _pipeline():
        stage(0)
        stage(1)
        stage_wait(4)
        for t in range(LA):
            fire_g(t)

        def body(j, carry):
            rb = lax.rem(j, NB)
            wait_g(rb)
            fire_s(j)

            @pl.when(j <= cpw - 1 - LA)
            def _():
                @pl.when(j >= DS)
                def _():
                    wait_s(lax.rem(j - DS, NB))

                @pl.when(jnp.logical_and(lax.rem(j - (DS - 1), G) == 0,
                                         jnp.logical_and(j >= G + DS - 1,
                                                         j // G + 1 < ng)))
                def _():
                    stage(j // G + 1)

                jn = j + LA

                @pl.when(jnp.logical_and(lax.rem(jn, G) == 0, jn >= 2 * G))
                def _():
                    stage_wait(2)

                fire_g(jn)

            return carry

        lax.fori_loop(0, cpw, body, 0)
        for t in range(NB):
            wait_s(lax.rem(cpw - NB + t, NB))

    plsc.subcore_barrier()
    pltpu.sync_copy(acc.at[pl.ds(s * ZR, ZR)], out_hbm.at[c].at[pl.ds(s * ZR, ZR)])


_BR = 1000
_GRID = N // _BR


def _dred_body(deg_ref, o_ref):
    cnt = jnp.sum(deg_ref[...], axis=0)
    o_ref[...] = lax.rsqrt(cnt + 1.0)[:, None]


def _dreduce(deg):
    return pl.pallas_call(
        _dred_body,
        grid=(1,),
        in_specs=[pl.BlockSpec((NW, N_PAD), lambda i: (0, 0))],
        out_specs=pl.BlockSpec((N_PAD, 1), lambda i: (0, 0)),
        out_shape=jax.ShapeDtypeStruct((N_PAD, 1), jnp.float32),
    )(deg)


def _mms_body(x_ref, w_ref, d_ref, o_ref):
    y = jnp.dot(x_ref[...], w_ref[...], preferred_element_type=jnp.float32)
    o_ref[...] = y * d_ref[...]


def _matmul_scale(x, w, d):
    return pl.pallas_call(
        _mms_body,
        grid=(_GRID,),
        in_specs=[
            pl.BlockSpec((_BR, D), lambda i: (i, 0)),
            pl.BlockSpec((D, D), lambda i: (0, 0)),
            pl.BlockSpec((_BR, 1), lambda i: (i, 0)),
        ],
        out_specs=pl.BlockSpec((_BR, D), lambda i: (i, 0)),
        out_shape=jax.ShapeDtypeStruct((N, D), jnp.float32),
    )(x, w, d)


def _comb_body(part_ref, ys_ref, d_ref, b_ref, flag_ref, o_ref):
    sfull = part_ref[0] + part_ref[1] + ys_ref[...]
    v = d_ref[...] * sfull + b_ref[...]
    o_ref[...] = jnp.where(flag_ref[0, 0] > 0.0, jnp.maximum(v, 0.0), v)


def _combine(part, ys, d, b, flag):
    return pl.pallas_call(
        _comb_body,
        grid=(_GRID,),
        in_specs=[
            pl.BlockSpec((NC, _BR, D), lambda i: (0, i, 0)),
            pl.BlockSpec((_BR, D), lambda i: (i, 0)),
            pl.BlockSpec((_BR, 1), lambda i: (i, 0)),
            pl.BlockSpec((1, D), lambda i: (0, 0)),
            pl.BlockSpec((1, 1), lambda i: (0, 0)),
        ],
        out_specs=pl.BlockSpec((_BR, D), lambda i: (i, 0)),
        out_shape=jax.ShapeDtypeStruct((N, D), jnp.float32),
    )(part, ys, d, b, flag)


@jax.jit
def kernel(x, edge_index, W1, b1, W2, b2):
    ei = edge_index.astype(jnp.int32)
    pad = E_PAD - E
    src = jnp.concatenate([ei[0], jnp.zeros((pad,), jnp.int32)])
    dst = jnp.concatenate([ei[1], jnp.full((pad,), N, jnp.int32)])
    src = src.reshape(TOTG, G, CH)
    dst = dst.reshape(TOTG, G, CH)
    dst16 = ei[1].reshape(NW, EV, 16)

    zerosD = jnp.zeros((N_PAD, D), jnp.float32)

    deg = _deg_kernel(dst16)
    d = _dreduce(deg)

    W_all = jnp.stack([W1, W2])
    b_all = jnp.stack([b1.reshape(1, D), b2.reshape(1, D)])
    flags = jnp.array([[[1.0]], [[0.0]]], jnp.float32)

    def layer(carry, ops):
        w, b, flag = ops
        ys = _matmul_scale(carry, w, d)
        part = _scatter_kernel(ys, src, dst, zerosD)
        out = _combine(part, ys, d, b, flag)
        return out, None

    out, _ = lax.scan(layer, x, (W_all, b_all, flags))
    return out

# --- scband reference (transcript-rebuilt; emitter-appended) ---
"""Pipeline reference for scband-gcnmodel-17944373363171 (READ-ONLY COPY).

The authoritative reference and input builder live on the scoring server;
editing this copy changes nothing except your own understanding.
"""

import jax, jax.numpy as jnp
import numpy as np

N = 10000
E = 320000
D_IN = 128
D_HID = 128
D_OUT = 128


def setup_inputs(seed: int = 0) -> dict:
    key = jax.random.key(seed)
    k_x, k_e, k_w1, k_b1, k_w2, k_b2 = jax.random.split(key, 6)
    x = jax.random.normal(k_x, (N, D_IN), dtype=jnp.float32)
    edge_index = jax.random.randint(k_e, (2, E), 0, N, dtype=jnp.int64)
    # Glorot-style init for GCNConv weights, zeros for bias (PyG default)
    W1 = jax.random.normal(k_w1, (D_IN, D_HID), dtype=jnp.float32) * (1.0 / np.sqrt(D_IN))
    b1 = jnp.zeros((D_HID,), dtype=jnp.float32)
    W2 = jax.random.normal(k_w2, (D_HID, D_OUT), dtype=jnp.float32) * (1.0 / np.sqrt(D_HID))
    b2 = jnp.zeros((D_OUT,), dtype=jnp.float32)
    return {"x": x, "edge_index": edge_index, "W1": W1, "b1": b1, "W2": W2, "b2": b2}


def _gcn_conv(x, edge_index, W, b):
    # Faithful GCNConv: add self-loops, symmetric normalization, linear, scatter-add, bias.
    n = x.shape[0]
    src = edge_index[0]
    dst = edge_index[1]
    loop = jnp.arange(n, dtype=src.dtype)
    src = jnp.concatenate([src, loop], axis=0)
    dst = jnp.concatenate([dst, loop], axis=0)
    ones = jnp.ones(dst.shape, dtype=x.dtype)
    deg = jnp.zeros((n,), dtype=x.dtype).at[dst].add(ones)
    deg_inv_sqrt = jnp.where(deg > 0, jax.lax.rsqrt(jnp.maximum(deg, 1e-12)), 0.0)
    norm = deg_inv_sqrt[src] * deg_inv_sqrt[dst]
    h = x @ W
    msg = h[src] * norm[:, None]
    out = jnp.zeros((n, W.shape[1]), dtype=x.dtype).at[dst].add(msg)
    return out + b


def reference(x, edge_index, W1, b1, W2, b2):
    h = _gcn_conv(x, edge_index, W1, b1)
    h = jax.nn.relu(h)
    # dropout is identity in eval mode (deterministic reference)
    out = _gcn_conv(h, edge_index, W2, b2)
    return out

if __name__ == "__main__":
    import jax
    _d = setup_inputs()
    print(jax.jit(kernel)(*tuple(_d.values())))

</pallas_src>

<mosaic_0001>
#map = affine_map<(d0, d1) -> (0, 0, 0)>
#map1 = affine_map<(d0, d1) -> (0, 0)>
module attributes {stable_mosaic.version = 14 : i64} {
  func.func @_deg_kernel(%arg0: i32, %arg1: i32, %arg2: memref<32x625x16xi32, #tpu.memory_space<hbm>>, %arg3: memref<32x10112xf32, #tpu.memory_space<hbm>>, %arg4: memref<625x16xi32, #tpu.memory_space<vmem>>, %arg5: memref<10112xf32, #tpu.memory_space<vmem>>) attributes {dimension_semantics = [#tpu.dimension_semantics<core_parallel>, #tpu.dimension_semantics<subcore_parallel>], iteration_bounds = array<i64: 2, 16>, scalar_prefetch = 0 : i64, scratch_operands = 2 : i64, tpu.core_type = #tpu.core_type<sc_vector_subcore>, window_params = [{transform_indices = #map}, {transform_indices = #map1}]} {
    %mul3A = arith.constant 16 : i32
    %mul3A_0 = arith.muli %arg0, %mul3A : i32
    %add3A = arith.addi %mul3A_0, %arg1 : i32
    "tpu.region"() ({
      %run_scoped3A = tpu.sem_alloc : memref<!tpu.dma_semaphore, #tpu.memory_space<semaphore_mem>>
      %dma_start3A = arith.constant 0 : i32
      %dma_start3A_15 = arith.constant 0 : i32
      %dma_start3A_16 = tpu.memref_slice %arg2[%add3A, %dma_start3A, %dma_start3A_15] : memref<32x625x16xi32, #tpu.memory_space<hbm>> -> memref<1x625x16xi32, #tpu.memory_space<hbm>>
      %dma_start3A_17 = tpu.memref_squeeze %dma_start3A_16 : memref<1x625x16xi32, #tpu.memory_space<hbm>> -> memref<625x16xi32, #tpu.memory_space<hbm>>
      %dma_start3A_18 = arith.constant 0 : i32
      %dma_start3A_19 = arith.constant 0 : i32
      %dma_start3A_20 = tpu.memref_slice %arg2[%add3A, %dma_start3A_18, %dma_start3A_19] : memref<32x625x16xi32, #tpu.memory_space<hbm>> -> memref<1x625x16xi32, #tpu.memory_space<hbm>>
      %dma_start3A_21 = tpu.memref_squeeze %dma_start3A_20 : memref<1x625x16xi32, #tpu.memory_space<hbm>> -> memref<625x16xi32, #tpu.memory_space<hbm>>
      tpu.enqueue_dma source(%dma_start3A_21 : memref<625x16xi32, #tpu.memory_space<hbm>>) target(%arg4 : memref<625x16xi32, #tpu.memory_space<vmem>>) target_semaphore(%run_scoped3A : memref<!tpu.dma_semaphore, #tpu.memory_space<semaphore_mem>>)
      %dma_wait3A = arith.constant 0 : i32
      %dma_wait3A_22 = arith.constant 0 : i32
      %dma_wait3A_23 = tpu.memref_slice %arg2[%add3A, %dma_wait3A, %dma_wait3A_22] : memref<32x625x16xi32, #tpu.memory_space<hbm>> -> memref<1x625x16xi32, #tpu.memory_space<hbm>>
      %dma_wait3A_24 = tpu.memref_squeeze %dma_wait3A_23 : memref<1x625x16xi32, #tpu.memory_space<hbm>> -> memref<625x16xi32, #tpu.memory_space<hbm>>
      %dma_wait3A_25 = arith.constant 0 : i32
      %dma_wait3A_26 = arith.constant 0 : i32
      %dma_wait3A_27 = tpu.memref_slice %arg2[%add3A, %dma_wait3A_25, %dma_wait3A_26] : memref<32x625x16xi32, #tpu.memory_space<hbm>> -> memref<1x625x16xi32, #tpu.memory_space<hbm>>
      %dma_wait3A_28 = tpu.memref_squeeze %dma_wait3A_27 : memref<1x625x16xi32, #tpu.memory_space<hbm>> -> memref<625x16xi32, #tpu.memory_space<hbm>>
      tpu.wait_dma2 semaphore(%run_scoped3A : memref<!tpu.dma_semaphore, #tpu.memory_space<semaphore_mem>>) src(%dma_wait3A_28 : memref<625x16xi32, #tpu.memory_space<hbm>>) dst(%arg4 : memref<625x16xi32, #tpu.memory_space<vmem>>)
      tpu.yield
    }) : () -> ()
    %broadcast_in_dim3A = arith.constant 0.000000e+00 : f32
    %broadcast_in_dim3A_1 = vector.broadcast %broadcast_in_dim3A : f32 to vector<16xf32>
    %scan3A = arith.constant 0 : i32
    %scan3A_2 = arith.constant 0 : i32
    %scan3A_3 = arith.constant 632 : i32
    %scan3A_4 = arith.addi %scan3A_2, %scan3A_3 : i32
    %scan3A_5 = arith.constant 1 : i32
    scf.for %scan3A_15 = %scan3A_2 to %scan3A_4 step %scan3A_5  : i32 {
      %mul3A_16 = arith.constant 16 : i32
      %mul3A_17 = arith.muli %scan3A_15, %mul3A_16 : i32
      %swap3A = arith.index_cast %mul3A_17 : i32 to index
      %swap3A_18 = tpu.vector_load %arg5[%swap3A] {strides = array<i32>} : memref<10112xf32, #tpu.memory_space<vmem>>, vector<16xf32>,
      tpu.vector_store %arg5[%swap3A], %broadcast_in_dim3A_1 {strides = array<i32>} : memref<10112xf32, #tpu.memory_space<vmem>>, vector<16xf32>,
    }
    %scan3A_6 = arith.constant 632 : i32
    %broadcast_in_dim3A_7 = arith.constant 1.000000e+00 : f32
    %broadcast_in_dim3A_8 = vector.broadcast %broadcast_in_dim3A_7 : f32 to vector<16xf32>
    %scan3A_9 = arith.constant 0 : i32
    %scan3A_10 = arith.constant 0 : i32
    %scan3A_11 = arith.constant 625 : i32
    %scan3A_12 = arith.addi %scan3A_10, %scan3A_11 : i32
    %scan3A_13 = arith.constant 1 : i32
    scf.for %scan3A_15 = %scan3A_10 to %scan3A_12 step %scan3A_13  : i32 {
      %get3A = arith.index_cast %scan3A_15 : i32 to index
      %get3A_16 = arith.constant 0 : index
      %get3A_17 = tpu.vector_load %arg4[%get3A, %get3A_16] {strides = array<i32>} : memref<625x16xi32, #tpu.memory_space<vmem>>, vector<16xi32>,
      tpu.vector_store_idx %arg5[%get3A_17], %broadcast_in_dim3A_8 {add = true} : memref<10112xf32, #tpu.memory_space<vmem>>[vector<16xi32>], vector<16xf32>,
    }
    %scan3A_14 = arith.constant 625 : i32
    "tpu.region"() ({
      %run_scoped3A = tpu.sem_alloc : memref<!tpu.dma_semaphore, #tpu.memory_space<semaphore_mem>>
      %dma_start3A = arith.constant 0 : i32
      %dma_start3A_15 = tpu.memref_slice %arg3[%add3A, %dma_start3A] : memref<32x10112xf32, #tpu.memory_space<hbm>> -> memref<1x10112xf32, #tpu.memory_space<hbm>>
      %dma_start3A_16 = tpu.memref_squeeze %dma_start3A_15 : memref<1x10112xf32, #tpu.memory_space<hbm>> -> memref<10112xf32, #tpu.memory_space<hbm>>
      %dma_start3A_17 = arith.constant 0 : i32
      %dma_start3A_18 = tpu.memref_slice %arg3[%add3A, %dma_start3A_17] : memref<32x10112xf32, #tpu.memory_space<hbm>> -> memref<1x10112xf32, #tpu.memory_space<hbm>>
      %dma_start3A_19 = tpu.memref_squeeze %dma_start3A_18 : memref<1x10112xf32, #tpu.memory_space<hbm>> -> memref<10112xf32, #tpu.memory_space<hbm>>
      tpu.enqueue_dma source(%arg5 : memref<10112xf32, #tpu.memory_space<vmem>>) target(%dma_start3A_19 : memref<10112xf32, #tpu.memory_space<hbm>>) target_semaphore(%run_scoped3A : memref<!tpu.dma_semaphore, #tpu.memory_space<semaphore_mem>>)
      %dma_wait3A = arith.constant 0 : i32
      %dma_wait3A_20 = tpu.memref_slice %arg3[%add3A, %dma_wait3A] : memref<32x10112xf32, #tpu.memory_space<hbm>> -> memref<1x10112xf32, #tpu.memory_space<hbm>>
      %dma_wait3A_21 = tpu.memref_squeeze %dma_wait3A_20 : memref<1x10112xf32, #tpu.memory_space<hbm>> -> memref<10112xf32, #tpu.memory_space<hbm>>
      %dma_wait3A_22 = arith.constant 0 : i32
      %dma_wait3A_23 = tpu.memref_slice %arg3[%add3A, %dma_wait3A_22] : memref<32x10112xf32, #tpu.memory_space<hbm>> -> memref<1x10112xf32, #tpu.memory_space<hbm>>
      %dma_wait3A_24 = tpu.memref_squeeze %dma_wait3A_23 : memref<1x10112xf32, #tpu.memory_space<hbm>> -> memref<10112xf32, #tpu.memory_space<hbm>>
      tpu.wait_dma2 semaphore(%run_scoped3A : memref<!tpu.dma_semaphore, #tpu.memory_space<semaphore_mem>>) src(%arg5 : memref<10112xf32, #tpu.memory_space<vmem>>) dst(%dma_wait3A_24 : memref<10112xf32, #tpu.memory_space<hbm>>)
      tpu.yield
    }) : () -> ()
    return
  }
}

#map = affine_map<(d0, d1) -> (0, 0)>
#map1 = affine_map<(d0, d1) -> (0, 0, 0)>
module attributes {stable_mosaic.version = 14 : i64} {
  func.func @_scatter_kernel(%arg0: i32, %arg1: i32, %arg2: memref<10000x128xf32, #tpu.memory_space<hbm>>, %arg3: memref<480x6x112xi32, #tpu.memory_space<hbm>>, %arg4: memref<480x6x112xi32, #tpu.memory_space<hbm>>, %arg5: memref<10112x128xf32, #tpu.memory_space<hbm>>, %arg6: memref<2x10112x128xf32, #tpu.memory_space<hbm>>, %arg7: memref<2x6x112xi32, #tpu.memory_space<vmem>>, %arg8: memref<2x6x112xi32, #tpu.memory_space<vmem>>, %arg9: memref<3x112x128xf32, #tpu.memory_space<vmem>>, %arg10: memref<10112x128xf32, #tpu.memory_space<vmem_shared>>, %arg11: memref<3x!tpu.dma_semaphore, #tpu.memory_space<semaphore_mem>>, %arg12: memref<3x!tpu.dma_semaphore, #tpu.memory_space<semaphore_mem>>, %arg13: memref<!tpu.dma_semaphore, #tpu.memory_space<semaphore_mem>>) attributes {dimension_semantics = [#tpu.dimension_semantics<core_parallel>, #tpu.dimension_semantics<subcore_parallel>], iteration_bounds = array<i64: 2, 16>, scalar_prefetch = 0 : i64, scratch_operands = 7 : i64, tpu.core_type = #tpu.core_type<sc_vector_subcore>, window_params = [{transform_indices = #map}, {transform_indices = #map1}, {transform_indices = #map1}, {transform_indices = #map}, {transform_indices = #map1}]} {
    %eq3A = arith.constant 0 : i32
    %eq3A_0 = arith.cmpi eq, %arg0, %eq3A : i32
    %select_n3A = arith.constant 2 : i32
    %select_n3A_1 = arith.constant 28 : i32
    %select_n3A_2 = arith.select %eq3A_0, %select_n3A_1, %select_n3A : i32
    %mul3A = arith.constant 6 : i32
    %mul3A_3 = arith.muli %select_n3A_2, %mul3A : i32
    %eq3A_4 = arith.constant 0 : i32
    %eq3A_5 = arith.cmpi eq, %arg0, %eq3A_4 : i32
    %mul3A_6 = arith.constant 28 : i32
    %mul3A_7 = arith.muli %arg1, %mul3A_6 : i32
    %mul3A_8 = arith.constant 2 : i32
    %mul3A_9 = arith.muli %arg1, %mul3A_8 : i32
    %add3A = arith.constant 448 : i32
    %add3A_10 = arith.addi %add3A, %mul3A_9 : i32
    %select_n3A_11 = arith.select %eq3A_5, %mul3A_7, %add3A_10 : i32
    %mul3A_12 = arith.constant 632 : i32
    %mul3A_13 = arith.muli %arg1, %mul3A_12 : i32
    %mul3A_14 = arith.constant 632 : i32
    %mul3A_15 = arith.muli %arg1, %mul3A_14 : i32
    "tpu.region"() ({
      %run_scoped3A = tpu.sem_alloc : memref<!tpu.dma_semaphore, #tpu.memory_space<semaphore_mem>>
      %dma_start3A = arith.constant 0 : i32
      %dma_start3A_23 = tpu.memref_slice %arg10[%mul3A_15, %dma_start3A] : memref<10112x128xf32, #tpu.memory_space<vmem_shared>> -> memref<632x128xf32, #tpu.memory_space<vmem_shared>>
      %dma_start3A_24 = arith.constant 0 : i32
      %dma_start3A_25 = tpu.memref_slice %arg5[%mul3A_13, %dma_start3A_24] : memref<10112x128xf32, #tpu.memory_space<hbm>> -> memref<632x128xf32, #tpu.memory_space<hbm>>
      tpu.enqueue_dma source(%dma_start3A_25 : memref<632x128xf32, #tpu.memory_space<hbm>>) target(%dma_start3A_23 : memref<632x128xf32, #tpu.memory_space<vmem_shared>>) target_semaphore(%run_scoped3A : memref<!tpu.dma_semaphore, #tpu.memory_space<semaphore_mem>>)
      %dma_wait3A = arith.constant 0 : i32
      %dma_wait3A_26 = tpu.memref_slice %arg10[%mul3A_15, %dma_wait3A] : memref<10112x128xf32, #tpu.memory_space<vmem_shared>> -> memref<632x128xf32, #tpu.memory_space<vmem_shared>>
      %dma_wait3A_27 = arith.constant 0 : i32
      %dma_wait3A_28 = tpu.memref_slice %arg5[%mul3A_13, %dma_wait3A_27] : memref<10112x128xf32, #tpu.memory_space<hbm>> -> memref<632x128xf32, #tpu.memory_space<hbm>>
      tpu.wait_dma2 semaphore(%run_scoped3A : memref<!tpu.dma_semaphore, #tpu.memory_space<semaphore_mem>>) src(%dma_wait3A_28 : memref<632x128xf32, #tpu.memory_space<hbm>>) dst(%dma_wait3A_26 : memref<632x128xf32, #tpu.memory_space<vmem_shared>>)
      tpu.yield
    }) : () -> ()
    %barrier3A = arith.constant 0 : index
    tpu.barrier barrier_id(%barrier3A)
    %gt3A = arith.constant 0 : i32
    %gt3A_16 = arith.cmpi sgt, %select_n3A_2, %gt3A : i32
    %convert_element_type3A = arith.extui %gt3A_16 : i1 to i32
    %cond3A = arith.constant 0 : i32
    %cond3A_17 = arith.cmpi ne, %convert_element_type3A, %cond3A : i32
    scf.if %cond3A_17 {
      %rem3A = arith.constant 0 : i32
      %rem3A_23 = arith.constant 2 : i32
      %rem3A_24 = arith.remsi %rem3A, %rem3A_23 : i32
      %add3A_25 = arith.constant 0 : i32
      %add3A_26 = arith.addi %select_n3A_11, %add3A_25 : i32
      %min3A = arith.constant 479 : i32
      %min3A_27 = arith.minsi %add3A_26, %min3A : i32
      %dma_start3A = arith.constant 0 : i32
      %dma_start3A_28 = arith.constant 0 : i32
      %dma_start3A_29 = tpu.memref_slice %arg7[%rem3A_24, %dma_start3A, %dma_start3A_28] : memref<2x6x112xi32, #tpu.memory_space<vmem>> -> memref<1x6x112xi32, #tpu.memory_space<vmem>>
      %dma_start3A_30 = tpu.memref_squeeze %dma_start3A_29 : memref<1x6x112xi32, #tpu.memory_space<vmem>> -> memref<6x112xi32, #tpu.memory_space<vmem>>
      %dma_start3A_31 = arith.constant 0 : i32
      %dma_start3A_32 = arith.constant 0 : i32
      %dma_start3A_33 = tpu.memref_slice %arg3[%min3A_27, %dma_start3A_31, %dma_start3A_32] : memref<480x6x112xi32, #tpu.memory_space<hbm>> -> memref<1x6x112xi32, #tpu.memory_space<hbm>>
      %dma_start3A_34 = tpu.memref_squeeze %dma_start3A_33 : memref<1x6x112xi32, #tpu.memory_space<hbm>> -> memref<6x112xi32, #tpu.memory_space<hbm>>
      %dma_start3A_35 = arith.constant 0 : i32
      %dma_start3A_36 = arith.constant 0 : i32
      %dma_start3A_37 = tpu.memref_slice %arg7[%rem3A_24, %dma_start3A_35, %dma_start3A_36] : memref<2x6x112xi32, #tpu.memory_space<vmem>> -> memref<1x6x112xi32, #tpu.memory_space<vmem>>
      %dma_start3A_38 = tpu.memref_squeeze %dma_start3A_37 : memref<1x6x112xi32, #tpu.memory_space<vmem>> -> memref<6x112xi32, #tpu.memory_space<vmem>>
      %dma_start3A_39 = arith.constant 0 : i32
      %dma_start3A_40 = arith.constant 0 : i32
      %dma_start3A_41 = tpu.memref_slice %arg3[%min3A_27, %dma_start3A_39, %dma_start3A_40] : memref<480x6x112xi32, #tpu.memory_space<hbm>> -> memref<1x6x112xi32, #tpu.memory_space<hbm>>
      %dma_start3A_42 = tpu.memref_squeeze %dma_start3A_41 : memref<1x6x112xi32, #tpu.memory_space<hbm>> -> memref<6x112xi32, #tpu.memory_space<hbm>>
      tpu.enqueue_dma source(%dma_start3A_42 : memref<6x112xi32, #tpu.memory_space<hbm>>) target(%dma_start3A_38 : memref<6x112xi32, #tpu.memory_space<vmem>>) target_semaphore(%arg13 : memref<!tpu.dma_semaphore, #tpu.memory_space<semaphore_mem>>)
      %dma_start3A_43 = arith.constant 0 : i32
      %dma_start3A_44 = arith.constant 0 : i32
      %dma_start3A_45 = tpu.memref_slice %arg8[%rem3A_24, %dma_start3A_43, %dma_start3A_44] : memref<2x6x112xi32, #tpu.memory_space<vmem>> -> memref<1x6x112xi32, #tpu.memory_space<vmem>>
      %dma_start3A_46 = tpu.memref_squeeze %dma_start3A_45 : memref<1x6x112xi32, #tpu.memory_space<vmem>> -> memref<6x112xi32, #tpu.memory_space<vmem>>
      %dma_start3A_47 = arith.constant 0 : i32
      %dma_start3A_48 = arith.constant 0 : i32
      %dma_start3A_49 = tpu.memref_slice %arg4[%min3A_27, %dma_start3A_47, %dma_start3A_48] : memref<480x6x112xi32, #tpu.memory_space<hbm>> -> memref<1x6x112xi32, #tpu.memory_space<hbm>>
      %dma_start3A_50 = tpu.memref_squeeze %dma_start3A_49 : memref<1x6x112xi32, #tpu.memory_space<hbm>> -> memref<6x112xi32, #tpu.memory_space<hbm>>
      %dma_start3A_51 = arith.constant 0 : i32
      %dma_start3A_52 = arith.constant 0 : i32
      %dma_start3A_53 = tpu.memref_slice %arg8[%rem3A_24, %dma_start3A_51, %dma_start3A_52] : memref<2x6x112xi32, #tpu.memory_space<vmem>> -> memref<1x6x112xi32, #tpu.memory_space<vmem>>
      %dma_start3A_54 = tpu.memref_squeeze %dma_start3A_53 : memref<1x6x112xi32, #tpu.memory_space<vmem>> -> memref<6x112xi32, #tpu.memory_space<vmem>>
      %dma_start3A_55 = arith.constant 0 : i32
      %dma_start3A_56 = arith.constant 0 : i32
      %dma_start3A_57 = tpu.memref_slice %arg4[%min3A_27, %dma_start3A_55, %dma_start3A_56] : memref<480x6x112xi32, #tpu.memory_space<hbm>> -> memref<1x6x112xi32, #tpu.memory_space<hbm>>
      %dma_start3A_58 = tpu.memref_squeeze %dma_start3A_57 : memref<1x6x112xi32, #tpu.memory_space<hbm>> -> memref<6x112xi32, #tpu.memory_space<hbm>>
      tpu.enqueue_dma source(%dma_start3A_58 : memref<6x112xi32, #tpu.memory_space<hbm>>) target(%dma_start3A_54 : memref<6x112xi32, #tpu.memory_space<vmem>>) target_semaphore(%arg13 : memref<!tpu.dma_semaphore, #tpu.memory_space<semaphore_mem>>)
      %rem3A_59 = arith.constant 1 : i32
      %rem3A_60 = arith.constant 2 : i32
      %rem3A_61 = arith.remsi %rem3A_59, %rem3A_60 : i32
      %add3A_62 = arith.constant 1 : i32
      %add3A_63 = arith.addi %select_n3A_11, %add3A_62 : i32
      %min3A_64 = arith.constant 479 : i32
      %min3A_65 = arith.minsi %add3A_63, %min3A_64 : i32
      %dma_start3A_66 = arith.constant 0 : i32
      %dma_start3A_67 = arith.constant 0 : i32
      %dma_start3A_68 = tpu.memref_slice %arg7[%rem3A_61, %dma_start3A_66, %dma_start3A_67] : memref<2x6x112xi32, #tpu.memory_space<vmem>> -> memref<1x6x112xi32, #tpu.memory_space<vmem>>
      %dma_start3A_69 = tpu.memref_squeeze %dma_start3A_68 : memref<1x6x112xi32, #tpu.memory_space<vmem>> -> memref<6x112xi32, #tpu.memory_space<vmem>>
      %dma_start3A_70 = arith.constant 0 : i32
      %dma_start3A_71 = arith.constant 0 : i32
      %dma_start3A_72 = tpu.memref_slice %arg3[%min3A_65, %dma_start3A_70, %dma_start3A_71] : memref<480x6x112xi32, #tpu.memory_space<hbm>> -> memref<1x6x112xi32, #tpu.memory_space<hbm>>
      %dma_start3A_73 = tpu.memref_squeeze %dma_start3A_72 : memref<1x6x112xi32, #tpu.memory_space<hbm>> -> memref<6x112xi32, #tpu.memory_space<hbm>>
      %dma_start3A_74 = arith.constant 0 : i32
      %dma_start3A_75 = arith.constant 0 : i32
      %dma_start3A_76 = tpu.memref_slice %arg7[%rem3A_61, %dma_start3A_74, %dma_start3A_75] : memref<2x6x112xi32, #tpu.memory_space<vmem>> -> memref<1x6x112xi32, #tpu.memory_space<vmem>>
      %dma_start3A_77 = tpu.memref_squeeze %dma_start3A_76 : memref<1x6x112xi32, #tpu.memory_space<vmem>> -> memref<6x112xi32, #tpu.memory_space<vmem>>
      %dma_start3A_78 = arith.constant 0 : i32
      %dma_start3A_79 = arith.constant 0 : i32
      %dma_start3A_80 = tpu.memref_slice %arg3[%min3A_65, %dma_start3A_78, %dma_start3A_79] : memref<480x6x112xi32, #tpu.memory_space<hbm>> -> memref<1x6x112xi32, #tpu.memory_space<hbm>>
      %dma_start3A_81 = tpu.memref_squeeze %dma_start3A_80 : memref<1x6x112xi32, #tpu.memory_space<hbm>> -> memref<6x112xi32, #tpu.memory_space<hbm>>
      tpu.enqueue_dma source(%dma_start3A_81 : memref<6x112xi32, #tpu.memory_space<hbm>>) target(%dma_start3A_77 : memref<6x112xi32, #tpu.memory_space<vmem>>) target_semaphore(%arg13 : memref<!tpu.dma_semaphore, #tpu.memory_space<semaphore_mem>>)
      %dma_start3A_82 = arith.constant 0 : i32
      %dma_start3A_83 = arith.constant 0 : i32
      %dma_start3A_84 = tpu.memref_slice %arg8[%rem3A_61, %dma_start3A_82, %dma_start3A_83] : memref<2x6x112xi32, #tpu.memory_space<vmem>> -> memref<1x6x112xi32, #tpu.memory_space<vmem>>
      %dma_start3A_85 = tpu.memref_squeeze %dma_start3A_84 : memref<1x6x112xi32, #tpu.memory_space<vmem>> -> memref<6x112xi32, #tpu.memory_space<vmem>>
      %dma_start3A_86 = arith.constant 0 : i32
      %dma_start3A_87 = arith.constant 0 : i32
      %dma_start3A_88 = tpu.memref_slice %arg4[%min3A_65, %dma_start3A_86, %dma_start3A_87] : memref<480x6x112xi32, #tpu.memory_space<hbm>> -> memref<1x6x112xi32, #tpu.memory_space<hbm>>
      %dma_start3A_89 = tpu.memref_squeeze %dma_start3A_88 : memref<1x6x112xi32, #tpu.memory_space<hbm>> -> memref<6x112xi32, #tpu.memory_space<hbm>>
      %dma_start3A_90 = arith.constant 0 : i32
      %dma_start3A_91 = arith.constant 0 : i32
      %dma_start3A_92 = tpu.memref_slice %arg8[%rem3A_61, %dma_start3A_90, %dma_start3A_91] : memref<2x6x112xi32, #tpu.memory_space<vmem>> -> memref<1x6x112xi32, #tpu.memory_space<vmem>>
      %dma_start3A_93 = tpu.memref_squeeze %dma_start3A_92 : memref<1x6x112xi32, #tpu.memory_space<vmem>> -> memref<6x112xi32, #tpu.memory_space<vmem>>
      %dma_start3A_94 = arith.constant 0 : i32
      %dma_start3A_95 = arith.constant 0 : i32
      %dma_start3A_96 = tpu.memref_slice %arg4[%min3A_65, %dma_start3A_94, %dma_start3A_95] : memref<480x6x112xi32, #tpu.memory_space<hbm>> -> memref<1x6x112xi32, #tpu.memory_space<hbm>>
      %dma_start3A_97 = tpu.memref_squeeze %dma_start3A_96 : memref<1x6x112xi32, #tpu.memory_space<hbm>> -> memref<6x112xi32, #tpu.memory_space<hbm>>
      tpu.enqueue_dma source(%dma_start3A_97 : memref<6x112xi32, #tpu.memory_space<hbm>>) target(%dma_start3A_93 : memref<6x112xi32, #tpu.memory_space<vmem>>) target_semaphore(%arg13 : memref<!tpu.dma_semaphore, #tpu.memory_space<semaphore_mem>>)
      %dma_wait3A = arith.constant 0 : i32
      %dma_wait3A_98 = arith.constant 0 : i32
      %dma_wait3A_99 = arith.constant 0 : i32
      %dma_wait3A_100 = tpu.memref_slice %arg7[%dma_wait3A, %dma_wait3A_98, %dma_wait3A_99] : memref<2x6x112xi32, #tpu.memory_space<vmem>> -> memref<1x6x112xi32, #tpu.memory_space<vmem>>
      %dma_wait3A_101 = tpu.memref_squeeze %dma_wait3A_100 : memref<1x6x112xi32, #tpu.memory_space<vmem>> -> memref<6x112xi32, #tpu.memory_space<vmem>>
      %dma_wait3A_102 = arith.constant 0 : i32
      %dma_wait3A_103 = arith.constant 0 : i32
      %dma_wait3A_104 = tpu.memref_slice %arg3[%select_n3A_11, %dma_wait3A_102, %dma_wait3A_103] : memref<480x6x112xi32, #tpu.memory_space<hbm>> -> memref<1x6x112xi32, #tpu.memory_space<hbm>>
      %dma_wait3A_105 = tpu.memref_squeeze %dma_wait3A_104 : memref<1x6x112xi32, #tpu.memory_space<hbm>> -> memref<6x112xi32, #tpu.memory_space<hbm>>
      %dma_wait3A_106 = arith.constant 0 : i32
      %dma_wait3A_107 = arith.constant 0 : i32
      %dma_wait3A_108 = tpu.memref_slice %arg7[%dma_wait3A, %dma_wait3A_106, %dma_wait3A_107] : memref<2x6x112xi32, #tpu.memory_space<vmem>> -> memref<1x6x112xi32, #tpu.memory_space<vmem>>
      %dma_wait3A_109 = tpu.memref_squeeze %dma_wait3A_108 : memref<1x6x112xi32, #tpu.memory_space<vmem>> -> memref<6x112xi32, #tpu.memory_space<vmem>>
      %dma_wait3A_110 = arith.constant 0 : i32
      %dma_wait3A_111 = arith.constant 0 : i32
      %dma_wait3A_112 = tpu.memref_slice %arg3[%select_n3A_11, %dma_wait3A_110, %dma_wait3A_111] : memref<480x6x112xi32, #tpu.memory_space<hbm>> -> memref<1x6x112xi32, #tpu.memory_space<hbm>>
      %dma_wait3A_113 = tpu.memref_squeeze %dma_wait3A_112 : memref<1x6x112xi32, #tpu.memory_space<hbm>> -> memref<6x112xi32, #tpu.memory_space<hbm>>
      tpu.wait_dma2 semaphore(%arg13 : memref<!tpu.dma_semaphore, #tpu.memory_space<semaphore_mem>>) src(%dma_wait3A_113 : memref<6x112xi32, #tpu.memory_space<hbm>>) dst(%dma_wait3A_109 : memref<6x112xi32, #tpu.memory_space<vmem>>)
      %dma_wait3A_114 = arith.constant 0 : i32
      %dma_wait3A_115 = arith.constant 0 : i32
      %dma_wait3A_116 = arith.constant 0 : i32
      %dma_wait3A_117 = tpu.memref_slice %arg7[%dma_wait3A_114, %dma_wait3A_115, %dma_wait3A_116] : memref<2x6x112xi32, #tpu.memory_space<vmem>> -> memref<1x6x112xi32, #tpu.memory_space<vmem>>
      %dma_wait3A_118 = tpu.memref_squeeze %dma_wait3A_117 : memref<1x6x112xi32, #tpu.memory_space<vmem>> -> memref<6x112xi32, #tpu.memory_space<vmem>>
      %dma_wait3A_119 = arith.constant 0 : i32
      %dma_wait3A_120 = arith.constant 0 : i32
      %dma_wait3A_121 = tpu.memref_slice %arg3[%select_n3A_11, %dma_wait3A_119, %dma_wait3A_120] : memref<480x6x112xi32, #tpu.memory_space<hbm>> -> memref<1x6x112xi32, #tpu.memory_space<hbm>>
      %dma_wait3A_122 = tpu.memref_squeeze %dma_wait3A_121 : memref<1x6x112xi32, #tpu.memory_space<hbm>> -> memref<6x112xi32, #tpu.memory_space<hbm>>
      %dma_wait3A_123 = arith.constant 0 : i32
      %dma_wait3A_124 = arith.constant 0 : i32
      %dma_wait3A_125 = tpu.memref_slice %arg7[%dma_wait3A_114, %dma_wait3A_123, %dma_wait3A_124] : memref<2x6x112xi32, #tpu.memory_space<vmem>> -> memref<1x6x112xi32, #tpu.memory_space<vmem>>
      %dma_wait3A_126 = tpu.memref_squeeze %dma_wait3A_125 : memref<1x6x112xi32, #tpu.memory_space<vmem>> -> memref<6x112xi32, #tpu.memory_space<vmem>>
      %dma_wait3A_127 = arith.constant 0 : i32
      %dma_wait3A_128 = arith.constant 0 : i32
      %dma_wait3A_129 = tpu.memref_slice %arg3[%select_n3A_11, %dma_wait3A_127, %dma_wait3A_128] : memref<480x6x112xi32, #tpu.memory_space<hbm>> -> memref<1x6x112xi32, #tpu.memory_space<hbm>>
      %dma_wait3A_130 = tpu.memref_squeeze %dma_wait3A_129 : memref<1x6x112xi32, #tpu.memory_space<hbm>> -> memref<6x112xi32, #tpu.memory_space<hbm>>
      tpu.wait_dma2 semaphore(%arg13 : memref<!tpu.dma_semaphore, #tpu.memory_space<semaphore_mem>>) src(%dma_wait3A_130 : memref<6x112xi32, #tpu.memory_space<hbm>>) dst(%dma_wait3A_126 : memref<6x112xi32, #tpu.memory_space<vmem>>)
      %dma_wait3A_131 = arith.constant 0 : i32
      %dma_wait3A_132 = arith.constant 0 : i32
      %dma_wait3A_133 = arith.constant 0 : i32
      %dma_wait3A_134 = tpu.memref_slice %arg7[%dma_wait3A_131, %dma_wait3A_132, %dma_wait3A_133] : memref<2x6x112xi32, #tpu.memory_space<vmem>> -> memref<1x6x112xi32, #tpu.memory_space<vmem>>
      %dma_wait3A_135 = tpu.memref_squeeze %dma_wait3A_134 : memref<1x6x112xi32, #tpu.memory_space<vmem>> -> memref<6x112xi32, #tpu.memory_space<vmem>>
      %dma_wait3A_136 = arith.constant 0 : i32
      %dma_wait3A_137 = arith.constant 0 : i32
      %dma_wait3A_138 = tpu.memref_slice %arg3[%select_n3A_11, %dma_wait3A_136, %dma_wait3A_137] : memref<480x6x112xi32, #tpu.memory_space<hbm>> -> memref<1x6x112xi32, #tpu.memory_space<hbm>>
      %dma_wait3A_139 = tpu.memref_squeeze %dma_wait3A_138 : memref<1x6x112xi32, #tpu.memory_space<hbm>> -> memref<6x112xi32, #tpu.memory_space<hbm>>
      %dma_wait3A_140 = arith.constant 0 : i32
      %dma_wait3A_141 = arith.constant 0 : i32
      %dma_wait3A_142 = tpu.memref_slice %arg7[%dma_wait3A_131, %dma_wait3A_140, %dma_wait3A_141] : memref<2x6x112xi32, #tpu.memory_space<vmem>> -> memref<1x6x112xi32, #tpu.memory_space<vmem>>
      %dma_wait3A_143 = tpu.memref_squeeze %dma_wait3A_142 : memref<1x6x112xi32, #tpu.memory_space<vmem>> -> memref<6x112xi32, #tpu.memory_space<vmem>>
      %dma_wait3A_144 = arith.constant 0 : i32
      %dma_wait3A_145 = arith.constant 0 : i32
      %dma_wait3A_146 = tpu.memref_slice %arg3[%select_n3A_11, %dma_wait3A_144, %dma_wait3A_145] : memref<480x6x112xi32, #tpu.memory_space<hbm>> -> memref<1x6x112xi32, #tpu.memory_space<hbm>>
      %dma_wait3A_147 = tpu.memref_squeeze %dma_wait3A_146 : memref<1x6x112xi32, #tpu.memory_space<hbm>> -> memref<6x112xi32, #tpu.memory_space<hbm>>
      tpu.wait_dma2 semaphore(%arg13 : memref<!tpu.dma_semaphore, #tpu.memory_space<semaphore_mem>>) src(%dma_wait3A_147 : memref<6x112xi32, #tpu.memory_space<hbm>>) dst(%dma_wait3A_143 : memref<6x112xi32, #tpu.memory_space<vmem>>)
      %dma_wait3A_148 = arith.constant 0 : i32
      %dma_wait3A_149 = arith.constant 0 : i32
      %dma_wait3A_150 = arith.constant 0 : i32
      %dma_wait3A_151 = tpu.memref_slice %arg7[%dma_wait3A_148, %dma_wait3A_149, %dma_wait3A_150] : memref<2x6x112xi32, #tpu.memory_space<vmem>> -> memref<1x6x112xi32, #tpu.memory_space<vmem>>
      %dma_wait3A_152 = tpu.memref_squeeze %dma_wait3A_151 : memref<1x6x112xi32, #tpu.memory_space<vmem>> -> memref<6x112xi32, #tpu.memory_space<vmem>>
      %dma_wait3A_153 = arith.constant 0 : i32
      %dma_wait3A_154 = arith.constant 0 : i32
      %dma_wait3A_155 = tpu.memref_slice %arg3[%select_n3A_11, %dma_wait3A_153, %dma_wait3A_154] : memref<480x6x112xi32, #tpu.memory_space<hbm>> -> memref<1x6x112xi32, #tpu.memory_space<hbm>>
      %dma_wait3A_156 = tpu.memref_squeeze %dma_wait3A_155 : memref<1x6x112xi32, #tpu.memory_space<hbm>> -> memref<6x112xi32, #tpu.memory_space<hbm>>
      %dma_wait3A_157 = arith.constant 0 : i32
      %dma_wait3A_158 = arith.constant 0 : i32
      %dma_wait3A_159 = tpu.memref_slice %arg7[%dma_wait3A_148, %dma_wait3A_157, %dma_wait3A_158] : memref<2x6x112xi32, #tpu.memory_space<vmem>> -> memref<1x6x112xi32, #tpu.memory_space<vmem>>
      %dma_wait3A_160 = tpu.memref_squeeze %dma_wait3A_159 : memref<1x6x112xi32, #tpu.memory_space<vmem>> -> memref<6x112xi32, #tpu.memory_space<vmem>>
      %dma_wait3A_161 = arith.constant 0 : i32
      %dma_wait3A_162 = arith.constant 0 : i32
      %dma_wait3A_163 = tpu.memref_slice %arg3[%select_n3A_11, %dma_wait3A_161, %dma_wait3A_162] : memref<480x6x112xi32, #tpu.memory_space<hbm>> -> memref<1x6x112xi32, #tpu.memory_space<hbm>>
      %dma_wait3A_164 = tpu.memref_squeeze %dma_wait3A_163 : memref<1x6x112xi32, #tpu.memory_space<hbm>> -> memref<6x112xi32, #tpu.memory_space<hbm>>
      tpu.wait_dma2 semaphore(%arg13 : memref<!tpu.dma_semaphore, #tpu.memory_space<semaphore_mem>>) src(%dma_wait3A_164 : memref<6x112xi32, #tpu.memory_space<hbm>>) dst(%dma_wait3A_160 : memref<6x112xi32, #tpu.memory_space<vmem>>)
      %rem3A_165 = arith.constant 0 : i32
      %rem3A_166 = arith.constant 3 : i32
      %rem3A_167 = arith.remsi %rem3A_165, %rem3A_166 : i32
      %rem3A_168 = arith.constant 0 : i32
      %rem3A_169 = arith.constant 2 : i32
      %rem3A_170 = arith.remsi %rem3A_168, %rem3A_169 : i32
      %rem3A_171 = arith.constant 0 : i32
      %rem3A_172 = arith.constant 6 : i32
      %rem3A_173 = arith.remsi %rem3A_171, %rem3A_172 : i32
      %dma_start3A_174 = arith.constant 0 : i32
      %dma_start3A_175 = arith.constant 0 : i32
      %dma_start3A_176 = tpu.memref_slice %arg9[%rem3A_167, %dma_start3A_174, %dma_start3A_175] : memref<3x112x128xf32, #tpu.memory_space<vmem>> -> memref<1x112x128xf32, #tpu.memory_space<vmem>>
      %dma_start3A_177 = tpu.memref_squeeze %dma_start3A_176 : memref<1x112x128xf32, #tpu.memory_space<vmem>> -> memref<112x128xf32, #tpu.memory_space<vmem>>
      %dma_start3A_178 = arith.constant 0 : i32
      %dma_start3A_179 = tpu.memref_slice %arg7[%rem3A_170, %rem3A_173, %dma_start3A_178] : memref<2x6x112xi32, #tpu.memory_space<vmem>> -> memref<1x1x112xi32, #tpu.memory_space<vmem>>
      %dma_start3A_180 = tpu.memref_squeeze %dma_start3A_179 : memref<1x1x112xi32, #tpu.memory_space<vmem>> -> memref<112xi32, #tpu.memory_space<vmem>>
      %dma_start3A_181 = arith.constant 0 : i32
      %dma_start3A_182 = arith.constant 0 : i32
      %dma_start3A_183 = tpu.memref_slice %arg2[%dma_start3A_181, %dma_start3A_182] : memref<10000x128xf32, #tpu.memory_space<hbm>> -> memref<10000x128xf32, #tpu.memory_space<hbm>>
      %dma_start3A_184 = tpu.memref_slice %arg11[%rem3A_167] : memref<3x!tpu.dma_semaphore, #tpu.memory_space<semaphore_mem>> -> memref<1x!tpu.dma_semaphore, #tpu.memory_space<semaphore_mem>>
      %dma_start3A_185 = tpu.memref_squeeze %dma_start3A_184 : memref<1x!tpu.dma_semaphore, #tpu.memory_space<semaphore_mem>> -> memref<!tpu.dma_semaphore, #tpu.memory_space<semaphore_mem>>
      tpu.enqueue_indirect_dma source(%dma_start3A_183 : memref<10000x128xf32, #tpu.memory_space<hbm>>) target(%dma_start3A_177 : memref<112x128xf32, #tpu.memory_space<vmem>>) offsets(%dma_start3A_180 : memref<112xi32, #tpu.memory_space<vmem>>) semaphore(%dma_start3A_185 : memref<!tpu.dma_semaphore, #tpu.memory_space<semaphore_mem>>)
      %rem3A_186 = arith.constant 1 : i32
      %rem3A_187 = arith.constant 3 : i32
      %rem3A_188 = arith.remsi %rem3A_186, %rem3A_187 : i32
      %rem3A_189 = arith.constant 0 : i32
      %rem3A_190 = arith.constant 2 : i32
      %rem3A_191 = arith.remsi %rem3A_189, %rem3A_190 : i32
      %rem3A_192 = arith.constant 1 : i32
      %rem3A_193 = arith.constant 6 : i32
      %rem3A_194 = arith.remsi %rem3A_192, %rem3A_193 : i32
      %dma_start3A_195 = arith.constant 0 : i32
      %dma_start3A_196 = arith.constant 0 : i32
      %dma_start3A_197 = tpu.memref_slice %arg9[%rem3A_188, %dma_start3A_195, %dma_start3A_196] : memref<3x112x128xf32, #tpu.memory_space<vmem>> -> memref<1x112x128xf32, #tpu.memory_space<vmem>>
      %dma_start3A_198 = tpu.memref_squeeze %dma_start3A_197 : memref<1x112x128xf32, #tpu.memory_space<vmem>> -> memref<112x128xf32, #tpu.memory_space<vmem>>
      %dma_start3A_199 = arith.constant 0 : i32
      %dma_start3A_200 = tpu.memref_slice %arg7[%rem3A_191, %rem3A_194, %dma_start3A_199] : memref<2x6x112xi32, #tpu.memory_space<vmem>> -> memref<1x1x112xi32, #tpu.memory_space<vmem>>
      %dma_start3A_201 = tpu.memref_squeeze %dma_start3A_200 : memref<1x1x112xi32, #tpu.memory_space<vmem>> -> memref<112xi32, #tpu.memory_space<vmem>>
      %dma_start3A_202 = arith.constant 0 : i32
      %dma_start3A_203 = arith.constant 0 : i32
      %dma_start3A_204 = tpu.memref_slice %arg2[%dma_start3A_202, %dma_start3A_203] : memref<10000x128xf32, #tpu.memory_space<hbm>> -> memref<10000x128xf32, #tpu.memory_space<hbm>>
      %dma_start3A_205 = tpu.memref_slice %arg11[%rem3A_188] : memref<3x!tpu.dma_semaphore, #tpu.memory_space<semaphore_mem>> -> memref<1x!tpu.dma_semaphore, #tpu.memory_space<semaphore_mem>>
      %dma_start3A_206 = tpu.memref_squeeze %dma_start3A_205 : memref<1x!tpu.dma_semaphore, #tpu.memory_space<semaphore_mem>> -> memref<!tpu.dma_semaphore, #tpu.memory_space<semaphore_mem>>
      tpu.enqueue_indirect_dma source(%dma_start3A_204 : memref<10000x128xf32, #tpu.memory_space<hbm>>) target(%dma_start3A_198 : memref<112x128xf32, #tpu.memory_space<vmem>>) offsets(%dma_start3A_201 : memref<112xi32, #tpu.memory_space<vmem>>) semaphore(%dma_start3A_206 : memref<!tpu.dma_semaphore, #tpu.memory_space<semaphore_mem>>)
      %while3A = arith.constant 0 : i32
      %while3A_207 = arith.constant 0 : i32
      %while3A_208 = arith.subi %mul3A_3, %while3A_207 : i32
      %while3A_209 = arith.addi %while3A_207, %while3A_208 : i32
      %while3A_210 = arith.constant 1 : i32
      %while3A_211 = arith.divsi %while3A_208, %while3A_210 : i32
      %while3A_212 = arith.muli %while3A_211, %while3A_210 : i32
      %while3A_213 = arith.addi %while3A_207, %while3A_212 : i32
      %while3A_214 = arith.constant 1 : i32
      scf.for %while3A_275 = %while3A_207 to %while3A_213 step %while3A_214  : i32 {
        %rem3A_276 = arith.constant 3 : i32
        %rem3A_277 = arith.remsi %while3A_275, %rem3A_276 : i32
        %dma_wait3A_278 = arith.constant 0 : i32
        %dma_wait3A_279 = arith.constant 0 : i32
        %dma_wait3A_280 = arith.constant 0 : i32
        %dma_wait3A_281 = arith.constant 0 : i32
        %dma_wait3A_282 = tpu.memref_slice %arg9[%rem3A_277, %dma_wait3A_280, %dma_wait3A_281] : memref<3x112x128xf32, #tpu.memory_space<vmem>> -> memref<1x112x128xf32, #tpu.memory_space<vmem>>
        %dma_wait3A_283 = tpu.memref_squeeze %dma_wait3A_282 : memref<1x112x128xf32, #tpu.memory_space<vmem>> -> memref<112x128xf32, #tpu.memory_space<vmem>>
        %dma_wait3A_284 = arith.constant 0 : i32
        %dma_wait3A_285 = tpu.memref_slice %arg7[%dma_wait3A_278, %dma_wait3A_279, %dma_wait3A_284] : memref<2x6x112xi32, #tpu.memory_space<vmem>> -> memref<1x1x112xi32, #tpu.memory_space<vmem>>
        %dma_wait3A_286 = tpu.memref_squeeze %dma_wait3A_285 : memref<1x1x112xi32, #tpu.memory_space<vmem>> -> memref<112xi32, #tpu.memory_space<vmem>>
        %dma_wait3A_287 = arith.constant 0 : i32
        %dma_wait3A_288 = arith.constant 0 : i32
        %dma_wait3A_289 = tpu.memref_slice %arg2[%dma_wait3A_287, %dma_wait3A_288] : memref<10000x128xf32, #tpu.memory_space<hbm>> -> memref<10000x128xf32, #tpu.memory_space<hbm>>
        %dma_wait3A_290 = tpu.memref_slice %arg11[%rem3A_277] : memref<3x!tpu.dma_semaphore, #tpu.memory_space<semaphore_mem>> -> memref<1x!tpu.dma_semaphore, #tpu.memory_space<semaphore_mem>>
        %dma_wait3A_291 = tpu.memref_squeeze %dma_wait3A_290 : memref<1x!tpu.dma_semaphore, #tpu.memory_space<semaphore_mem>> -> memref<!tpu.dma_semaphore, #tpu.memory_space<semaphore_mem>>
        tpu.wait_indirect_dma semaphore(%dma_wait3A_291 : memref<!tpu.dma_semaphore, #tpu.memory_space<semaphore_mem>>) src(%dma_wait3A_289 : memref<10000x128xf32, #tpu.memory_space<hbm>>) dst(%dma_wait3A_283 : memref<112x128xf32, #tpu.memory_space<vmem>>)
        %rem3A_292 = arith.constant 3 : i32
        %rem3A_293 = arith.remsi %while3A_275, %rem3A_292 : i32
        %jit3A = arith.constant 6 : i32
        %div3A = arith.divsi %while3A_275, %jit3A : i32
        %sign3A = arith.constant 0 : i32
        %sign3A_294 = arith.cmpi sgt, %while3A_275, %sign3A : i32
        %sign3A_295 = arith.extui %sign3A_294 : i1 to i32
        %sign3A_296 = arith.constant 0 : i32
        %sign3A_297 = arith.cmpi slt, %while3A_275, %sign3A_296 : i32
        %sign3A_298 = arith.extui %sign3A_297 : i1 to i32
        %sign3A_299 = arith.subi %sign3A_295, %sign3A_298 : i32
        %sign3A_300 = arith.constant 0 : i32
        %sign3A_301 = arith.cmpi sgt, %jit3A, %sign3A_300 : i32
        %sign3A_302 = arith.extui %sign3A_301 : i1 to i32
        %sign3A_303 = arith.constant 0 : i32
        %sign3A_304 = arith.cmpi slt, %jit3A, %sign3A_303 : i32
        %sign3A_305 = arith.extui %sign3A_304 : i1 to i32
        %sign3A_306 = arith.subi %sign3A_302, %sign3A_305 : i32
        %ne3A = arith.cmpi ne, %sign3A_299, %sign3A_306 : i32
        %rem3A_307 = arith.remsi %while3A_275, %jit3A : i32
        %ne3A_308 = arith.constant 0 : i32
        %ne3A_309 = arith.cmpi ne, %rem3A_307, %ne3A_308 : i32
        %and3A = arith.andi %ne3A, %ne3A_309 : i1
        %sub3A_310 = arith.constant 1 : i32
        %sub3A_311 = arith.subi %div3A, %sub3A_310 : i32
        %select_n3A_312 = arith.select %and3A, %sub3A_311, %div3A : i32
        %rem3A_313 = arith.constant 2 : i32
        %rem3A_314 = arith.remsi %select_n3A_312, %rem3A_313 : i32
        %rem3A_315 = arith.constant 6 : i32
        %rem3A_316 = arith.remsi %while3A_275, %rem3A_315 : i32
        %dma_start3A_317 = arith.constant 0 : i32
        %dma_start3A_318 = arith.constant 0 : i32
        %dma_start3A_319 = tpu.memref_slice %arg9[%rem3A_293, %dma_start3A_317, %dma_start3A_318] : memref<3x112x128xf32, #tpu.memory_space<vmem>> -> memref<1x112x128xf32, #tpu.memory_space<vmem>>
        %dma_start3A_320 = tpu.memref_squeeze %dma_start3A_319 : memref<1x112x128xf32, #tpu.memory_space<vmem>> -> memref<112x128xf32, #tpu.memory_space<vmem>>
        %dma_start3A_321 = arith.constant 0 : i32
        %dma_start3A_322 = tpu.memref_slice %arg8[%rem3A_314, %rem3A_316, %dma_start3A_321] : memref<2x6x112xi32, #tpu.memory_space<vmem>> -> memref<1x1x112xi32, #tpu.memory_space<vmem>>
        %dma_start3A_323 = tpu.memref_squeeze %dma_start3A_322 : memref<1x1x112xi32, #tpu.memory_space<vmem>> -> memref<112xi32, #tpu.memory_space<vmem>>
        %dma_start3A_324 = arith.constant 0 : i32
        %dma_start3A_325 = arith.constant 0 : i32
        %dma_start3A_326 = tpu.memref_slice %arg10[%dma_start3A_324, %dma_start3A_325] : memref<10112x128xf32, #tpu.memory_space<vmem_shared>> -> memref<10112x128xf32, #tpu.memory_space<vmem_shared>>
        %dma_start3A_327 = tpu.memref_slice %arg12[%rem3A_293] : memref<3x!tpu.dma_semaphore, #tpu.memory_space<semaphore_mem>> -> memref<1x!tpu.dma_semaphore, #tpu.memory_space<semaphore_mem>>
        %dma_start3A_328 = tpu.memref_squeeze %dma_start3A_327 : memref<1x!tpu.dma_semaphore, #tpu.memory_space<semaphore_mem>> -> memref<!tpu.dma_semaphore, #tpu.memory_space<semaphore_mem>>
        tpu.enqueue_indirect_dma source(%dma_start3A_320 : memref<112x128xf32, #tpu.memory_space<vmem>>) target(%dma_start3A_326 : memref<10112x128xf32, #tpu.memory_space<vmem_shared>>) offsets(%dma_start3A_323 : memref<112xi32, #tpu.memory_space<vmem>>) semaphore(%dma_start3A_328 : memref<!tpu.dma_semaphore, #tpu.memory_space<semaphore_mem>>) {add = true}
        %sub3A_329 = arith.constant 1 : i32
        %sub3A_330 = arith.subi %mul3A_3, %sub3A_329 : i32
        %sub3A_331 = arith.constant 2 : i32
        %sub3A_332 = arith.subi %sub3A_330, %sub3A_331 : i32
        %le3A = arith.cmpi sle, %while3A_275, %sub3A_332 : i32
        %convert_element_type3A_333 = arith.extui %le3A : i1 to i32
        %cond3A_334 = arith.constant 0 : i32
        %cond3A_335 = arith.cmpi ne, %convert_element_type3A_333, %cond3A_334 : i32
        scf.if %cond3A_335 {
          %ge3A = arith.constant 1 : i32
          %ge3A_336 = arith.cmpi sge, %while3A_275, %ge3A : i32
          %convert_element_type3A_337 = arith.extui %ge3A_336 : i1 to i32
          %cond3A_338 = arith.constant 0 : i32
          %cond3A_339 = arith.cmpi ne, %convert_element_type3A_337, %cond3A_338 : i32
          scf.if %cond3A_339 {
            %sub3A_433 = arith.constant 1 : i32
            %sub3A_434 = arith.subi %while3A_275, %sub3A_433 : i32
            %rem3A_435 = arith.constant 3 : i32
            %rem3A_436 = arith.remsi %sub3A_434, %rem3A_435 : i32
            %dma_wait3A_437 = arith.constant 0 : i32
            %dma_wait3A_438 = arith.constant 0 : i32
            %dma_wait3A_439 = arith.constant 0 : i32
            %dma_wait3A_440 = arith.constant 0 : i32
            %dma_wait3A_441 = tpu.memref_slice %arg9[%rem3A_436, %dma_wait3A_439, %dma_wait3A_440] : memref<3x112x128xf32, #tpu.memory_space<vmem>> -> memref<1x112x128xf32, #tpu.memory_space<vmem>>
            %dma_wait3A_442 = tpu.memref_squeeze %dma_wait3A_441 : memref<1x112x128xf32, #tpu.memory_space<vmem>> -> memref<112x128xf32, #tpu.memory_space<vmem>>
            %dma_wait3A_443 = arith.constant 0 : i32
            %dma_wait3A_444 = tpu.memref_slice %arg8[%dma_wait3A_437, %dma_wait3A_438, %dma_wait3A_443] : memref<2x6x112xi32, #tpu.memory_space<vmem>> -> memref<1x1x112xi32, #tpu.memory_space<vmem>>
            %dma_wait3A_445 = tpu.memref_squeeze %dma_wait3A_444 : memref<1x1x112xi32, #tpu.memory_space<vmem>> -> memref<112xi32, #tpu.memory_space<vmem>>
            %dma_wait3A_446 = arith.constant 0 : i32
            %dma_wait3A_447 = arith.constant 0 : i32
            %dma_wait3A_448 = tpu.memref_slice %arg10[%dma_wait3A_446, %dma_wait3A_447] : memref<10112x128xf32, #tpu.memory_space<vmem_shared>> -> memref<10112x128xf32, #tpu.memory_space<vmem_shared>>
            %dma_wait3A_449 = tpu.memref_slice %arg12[%rem3A_436] : memref<3x!tpu.dma_semaphore, #tpu.memory_space<semaphore_mem>> -> memref<1x!tpu.dma_semaphore, #tpu.memory_space<semaphore_mem>>
            %dma_wait3A_450 = tpu.memref_squeeze %dma_wait3A_449 : memref<1x!tpu.dma_semaphore, #tpu.memory_space<semaphore_mem>> -> memref<!tpu.dma_semaphore, #tpu.memory_space<semaphore_mem>>
            tpu.wait_indirect_dma semaphore(%dma_wait3A_450 : memref<!tpu.dma_semaphore, #tpu.memory_space<semaphore_mem>>) src(%dma_wait3A_442 : memref<112x128xf32, #tpu.memory_space<vmem>>) dst(%dma_wait3A_448 : memref<10112x128xf32, #tpu.memory_space<vmem_shared>>)
          } else {
          }
          %sub3A_340 = arith.constant 0 : i32
          %sub3A_341 = arith.subi %while3A_275, %sub3A_340 : i32
          %rem3A_342 = arith.constant 6 : i32
          %rem3A_343 = arith.remsi %sub3A_341, %rem3A_342 : i32
          %eq3A_344 = arith.constant 0 : i32
          %eq3A_345 = arith.cmpi eq, %rem3A_343, %eq3A_344 : i32
          %ge3A_346 = arith.constant 6 : i32
          %ge3A_347 = arith.cmpi sge, %while3A_275, %ge3A_346 : i32
          %jit3A_348 = arith.constant 6 : i32
          %div3A_349 = arith.divsi %while3A_275, %jit3A_348 : i32
          %sign3A_350 = arith.constant 0 : i32
          %sign3A_351 = arith.cmpi sgt, %while3A_275, %sign3A_350 : i32
          %sign3A_352 = arith.extui %sign3A_351 : i1 to i32
          %sign3A_353 = arith.constant 0 : i32
          %sign3A_354 = arith.cmpi slt, %while3A_275, %sign3A_353 : i32
          %sign3A_355 = arith.extui %sign3A_354 : i1 to i32
          %sign3A_356 = arith.subi %sign3A_352, %sign3A_355 : i32
          %sign3A_357 = arith.constant 0 : i32
          %sign3A_358 = arith.cmpi sgt, %jit3A_348, %sign3A_357 : i32
          %sign3A_359 = arith.extui %sign3A_358 : i1 to i32
          %sign3A_360 = arith.constant 0 : i32
          %sign3A_361 = arith.cmpi slt, %jit3A_348, %sign3A_360 : i32
          %sign3A_362 = arith.extui %sign3A_361 : i1 to i32
          %sign3A_363 = arith.subi %sign3A_359, %sign3A_362 : i32
          %ne3A_364 = arith.cmpi ne, %sign3A_356, %sign3A_363 : i32
          %rem3A_365 = arith.remsi %while3A_275, %jit3A_348 : i32
          %ne3A_366 = arith.constant 0 : i32
          %ne3A_367 = arith.cmpi ne, %rem3A_365, %ne3A_366 : i32
          %and3A_368 = arith.andi %ne3A_364, %ne3A_367 : i1
          %sub3A_369 = arith.constant 1 : i32
          %sub3A_370 = arith.subi %div3A_349, %sub3A_369 : i32
          %select_n3A_371 = arith.select %and3A_368, %sub3A_370, %div3A_349 : i32
          %add3A_372 = arith.constant 1 : i32
          %add3A_373 = arith.addi %select_n3A_371, %add3A_372 : i32
          %lt3A = arith.cmpi slt, %add3A_373, %select_n3A_2 : i32
          %and3A_374 = arith.andi %ge3A_347, %lt3A : i1
          %and3A_375 = arith.andi %eq3A_345, %and3A_374 : i1
          %convert_element_type3A_376 = arith.extui %and3A_375 : i1 to i32
          %cond3A_377 = arith.constant 0 : i32
          %cond3A_378 = arith.cmpi ne, %convert_element_type3A_376, %cond3A_377 : i32
          scf.if %cond3A_378 {
            %jit3A_433 = arith.constant 6 : i32
            %div3A_434 = arith.divsi %while3A_275, %jit3A_433 : i32
            %sign3A_435 = arith.constant 0 : i32
            %sign3A_436 = arith.cmpi sgt, %while3A_275, %sign3A_435 : i32
            %sign3A_437 = arith.extui %sign3A_436 : i1 to i32
            %sign3A_438 = arith.constant 0 : i32
            %sign3A_439 = arith.cmpi slt, %while3A_275, %sign3A_438 : i32
            %sign3A_440 = arith.extui %sign3A_439 : i1 to i32
            %sign3A_441 = arith.subi %sign3A_437, %sign3A_440 : i32
            %sign3A_442 = arith.constant 0 : i32
            %sign3A_443 = arith.cmpi sgt, %jit3A_433, %sign3A_442 : i32
            %sign3A_444 = arith.extui %sign3A_443 : i1 to i32
            %sign3A_445 = arith.constant 0 : i32
            %sign3A_446 = arith.cmpi slt, %jit3A_433, %sign3A_445 : i32
            %sign3A_447 = arith.extui %sign3A_446 : i1 to i32
            %sign3A_448 = arith.subi %sign3A_444, %sign3A_447 : i32
            %ne3A_449 = arith.cmpi ne, %sign3A_441, %sign3A_448 : i32
            %rem3A_450 = arith.remsi %while3A_275, %jit3A_433 : i32
            %ne3A_451 = arith.constant 0 : i32
            %ne3A_452 = arith.cmpi ne, %rem3A_450, %ne3A_451 : i32
            %and3A_453 = arith.andi %ne3A_449, %ne3A_452 : i1
            %sub3A_454 = arith.constant 1 : i32
            %sub3A_455 = arith.subi %div3A_434, %sub3A_454 : i32
            %select_n3A_456 = arith.select %and3A_453, %sub3A_455, %div3A_434 : i32
            %add3A_457 = arith.constant 1 : i32
            %add3A_458 = arith.addi %select_n3A_456, %add3A_457 : i32
            %rem3A_459 = arith.constant 2 : i32
            %rem3A_460 = arith.remsi %add3A_458, %rem3A_459 : i32
            %add3A_461 = arith.addi %select_n3A_11, %add3A_458 : i32
            %min3A_462 = arith.constant 479 : i32
            %min3A_463 = arith.minsi %add3A_461, %min3A_462 : i32
            %dma_start3A_464 = arith.constant 0 : i32
            %dma_start3A_465 = arith.constant 0 : i32
            %dma_start3A_466 = tpu.memref_slice %arg7[%rem3A_460, %dma_start3A_464, %dma_start3A_465] : memref<2x6x112xi32, #tpu.memory_space<vmem>> -> memref<1x6x112xi32, #tpu.memory_space<vmem>>
            %dma_start3A_467 = tpu.memref_squeeze %dma_start3A_466 : memref<1x6x112xi32, #tpu.memory_space<vmem>> -> memref<6x112xi32, #tpu.memory_space<vmem>>
            %dma_start3A_468 = arith.constant 0 : i32
            %dma_start3A_469 = arith.constant 0 : i32
            %dma_start3A_470 = tpu.memref_slice %arg3[%min3A_463, %dma_start3A_468, %dma_start3A_469] : memref<480x6x112xi32, #tpu.memory_space<hbm>> -> memref<1x6x112xi32, #tpu.memory_space<hbm>>
            %dma_start3A_471 = tpu.memref_squeeze %dma_start3A_470 : memref<1x6x112xi32, #tpu.memory_space<hbm>> -> memref<6x112xi32, #tpu.memory_space<hbm>>
            %dma_start3A_472 = arith.constant 0 : i32
            %dma_start3A_473 = arith.constant 0 : i32
            %dma_start3A_474 = tpu.memref_slice %arg7[%rem3A_460, %dma_start3A_472, %dma_start3A_473] : memref<2x6x112xi32, #tpu.memory_space<vmem>> -> memref<1x6x112xi32, #tpu.memory_space<vmem>>
            %dma_start3A_475 = tpu.memref_squeeze %dma_start3A_474 : memref<1x6x112xi32, #tpu.memory_space<vmem>> -> memref<6x112xi32, #tpu.memory_space<vmem>>
            %dma_start3A_476 = arith.constant 0 : i32
            %dma_start3A_477 = arith.constant 0 : i32
            %dma_start3A_478 = tpu.memref_slice %arg3[%min3A_463, %dma_start3A_476, %dma_start3A_477] : memref<480x6x112xi32, #tpu.memory_space<hbm>> -> memref<1x6x112xi32, #tpu.memory_space<hbm>>
            %dma_start3A_479 = tpu.memref_squeeze %dma_start3A_478 : memref<1x6x112xi32, #tpu.memory_space<hbm>> -> memref<6x112xi32, #tpu.memory_space<hbm>>
            tpu.enqueue_dma source(%dma_start3A_479 : memref<6x112xi32, #tpu.memory_space<hbm>>) target(%dma_start3A_475 : memref<6x112xi32, #tpu.memory_space<vmem>>) target_semaphore(%arg13 : memref<!tpu.dma_semaphore, #tpu.memory_space<semaphore_mem>>)
            %dma_start3A_480 = arith.constant 0 : i32
            %dma_start3A_481 = arith.constant 0 : i32
            %dma_start3A_482 = tpu.memref_slice %arg8[%rem3A_460, %dma_start3A_480, %dma_start3A_481] : memref<2x6x112xi32, #tpu.memory_space<vmem>> -> memref<1x6x112xi32, #tpu.memory_space<vmem>>
            %dma_start3A_483 = tpu.memref_squeeze %dma_start3A_482 : memref<1x6x112xi32, #tpu.memory_space<vmem>> -> memref<6x112xi32, #tpu.memory_space<vmem>>
            %dma_start3A_484 = arith.constant 0 : i32
            %dma_start3A_485 = arith.constant 0 : i32
            %dma_start3A_486 = tpu.memref_slice %arg4[%min3A_463, %dma_start3A_484, %dma_start3A_485] : memref<480x6x112xi32, #tpu.memory_space<hbm>> -> memref<1x6x112xi32, #tpu.memory_space<hbm>>
            %dma_start3A_487 = tpu.memref_squeeze %dma_start3A_486 : memref<1x6x112xi32, #tpu.memory_space<hbm>> -> memref<6x112xi32, #tpu.memory_space<hbm>>
            %dma_start3A_488 = arith.constant 0 : i32
            %dma_start3A_489 = arith.constant 0 : i32
            %dma_start3A_490 = tpu.memref_slice %arg8[%rem3A_460, %dma_start3A_488, %dma_start3A_489] : memref<2x6x112xi32, #tpu.memory_space<vmem>> -> memref<1x6x112xi32, #tpu.memory_space<vmem>>
            %dma_start3A_491 = tpu.memref_squeeze %dma_start3A_490 : memref<1x6x112xi32, #tpu.memory_space<vmem>> -> memref<6x112xi32, #tpu.memory_space<vmem>>
            %dma_start3A_492 = arith.constant 0 : i32
            %dma_start3A_493 = arith.constant 0 : i32
            %dma_start3A_494 = tpu.memref_slice %arg4[%min3A_463, %dma_start3A_492, %dma_start3A_493] : memref<480x6x112xi32, #tpu.memory_space<hbm>> -> memref<1x6x112xi32, #tpu.memory_space<hbm>>
            %dma_start3A_495 = tpu.memref_squeeze %dma_start3A_494 : memref<1x6x112xi32, #tpu.memory_space<hbm>> -> memref<6x112xi32, #tpu.memory_space<hbm>>
            tpu.enqueue_dma source(%dma_start3A_495 : memref<6x112xi32, #tpu.memory_space<hbm>>) target(%dma_start3A_491 : memref<6x112xi32, #tpu.memory_space<vmem>>) target_semaphore(%arg13 : memref<!tpu.dma_semaphore, #tpu.memory_space<semaphore_mem>>)
          } else {
          }
          %add3A_379 = arith.constant 2 : i32
          %add3A_380 = arith.addi %while3A_275, %add3A_379 : i32
          %rem3A_381 = arith.constant 6 : i32
          %rem3A_382 = arith.remsi %add3A_380, %rem3A_381 : i32
          %eq3A_383 = arith.constant 0 : i32
          %eq3A_384 = arith.cmpi eq, %rem3A_382, %eq3A_383 : i32
          %ge3A_385 = arith.constant 12 : i32
          %ge3A_386 = arith.cmpi sge, %add3A_380, %ge3A_385 : i32
          %and3A_387 = arith.andi %eq3A_384, %ge3A_386 : i1
          %convert_element_type3A_388 = arith.extui %and3A_387 : i1 to i32
          %cond3A_389 = arith.constant 0 : i32
          %cond3A_390 = arith.cmpi ne, %convert_element_type3A_388, %cond3A_389 : i32
          scf.if %cond3A_390 {
            %dma_wait3A_433 = arith.constant 0 : i32
            %dma_wait3A_434 = arith.constant 0 : i32
            %dma_wait3A_435 = arith.constant 0 : i32
            %dma_wait3A_436 = tpu.memref_slice %arg7[%dma_wait3A_433, %dma_wait3A_434, %dma_wait3A_435] : memref<2x6x112xi32, #tpu.memory_space<vmem>> -> memref<1x6x112xi32, #tpu.memory_space<vmem>>
            %dma_wait3A_437 = tpu.memref_squeeze %dma_wait3A_436 : memref<1x6x112xi32, #tpu.memory_space<vmem>> -> memref<6x112xi32, #tpu.memory_space<vmem>>
            %dma_wait3A_438 = arith.constant 0 : i32
            %dma_wait3A_439 = arith.constant 0 : i32
            %dma_wait3A_440 = tpu.memref_slice %arg3[%select_n3A_11, %dma_wait3A_438, %dma_wait3A_439] : memref<480x6x112xi32, #tpu.memory_space<hbm>> -> memref<1x6x112xi32, #tpu.memory_space<hbm>>
            %dma_wait3A_441 = tpu.memref_squeeze %dma_wait3A_440 : memref<1x6x112xi32, #tpu.memory_space<hbm>> -> memref<6x112xi32, #tpu.memory_space<hbm>>
            %dma_wait3A_442 = arith.constant 0 : i32
            %dma_wait3A_443 = arith.constant 0 : i32
            %dma_wait3A_444 = tpu.memref_slice %arg7[%dma_wait3A_433, %dma_wait3A_442, %dma_wait3A_443] : memref<2x6x112xi32, #tpu.memory_space<vmem>> -> memref<1x6x112xi32, #tpu.memory_space<vmem>>
            %dma_wait3A_445 = tpu.memref_squeeze %dma_wait3A_444 : memref<1x6x112xi32, #tpu.memory_space<vmem>> -> memref<6x112xi32, #tpu.memory_space<vmem>>
            %dma_wait3A_446 = arith.constant 0 : i32
            %dma_wait3A_447 = arith.constant 0 : i32
            %dma_wait3A_448 = tpu.memref_slice %arg3[%select_n3A_11, %dma_wait3A_446, %dma_wait3A_447] : memref<480x6x112xi32, #tpu.memory_space<hbm>> -> memref<1x6x112xi32, #tpu.memory_space<hbm>>
            %dma_wait3A_449 = tpu.memref_squeeze %dma_wait3A_448 : memref<1x6x112xi32, #tpu.memory_space<hbm>> -> memref<6x112xi32, #tpu.memory_space<hbm>>
            tpu.wait_dma2 semaphore(%arg13 : memref<!tpu.dma_semaphore, #tpu.memory_space<semaphore_mem>>) src(%dma_wait3A_449 : memref<6x112xi32, #tpu.memory_space<hbm>>) dst(%dma_wait3A_445 : memref<6x112xi32, #tpu.memory_space<vmem>>)
            %dma_wait3A_450 = arith.constant 0 : i32
            %dma_wait3A_451 = arith.constant 0 : i32
            %dma_wait3A_452 = arith.constant 0 : i32
            %dma_wait3A_453 = tpu.memref_slice %arg7[%dma_wait3A_450, %dma_wait3A_451, %dma_wait3A_452] : memref<2x6x112xi32, #tpu.memory_space<vmem>> -> memref<1x6x112xi32, #tpu.memory_space<vmem>>
            %dma_wait3A_454 = tpu.memref_squeeze %dma_wait3A_453 : memref<1x6x112xi32, #tpu.memory_space<vmem>> -> memref<6x112xi32, #tpu.memory_space<vmem>>
            %dma_wait3A_455 = arith.constant 0 : i32
            %dma_wait3A_456 = arith.constant 0 : i32
            %dma_wait3A_457 = tpu.memref_slice %arg3[%select_n3A_11, %dma_wait3A_455, %dma_wait3A_456] : memref<480x6x112xi32, #tpu.memory_space<hbm>> -> memref<1x6x112xi32, #tpu.memory_space<hbm>>
            %dma_wait3A_458 = tpu.memref_squeeze %dma_wait3A_457 : memref<1x6x112xi32, #tpu.memory_space<hbm>> -> memref<6x112xi32, #tpu.memory_space<hbm>>
            %dma_wait3A_459 = arith.constant 0 : i32
            %dma_wait3A_460 = arith.constant 0 : i32
            %dma_wait3A_461 = tpu.memref_slice %arg7[%dma_wait3A_450, %dma_wait3A_459, %dma_wait3A_460] : memref<2x6x112xi32, #tpu.memory_space<vmem>> -> memref<1x6x112xi32, #tpu.memory_space<vmem>>
            %dma_wait3A_462 = tpu.memref_squeeze %dma_wait3A_461 : memref<1x6x112xi32, #tpu.memory_space<vmem>> -> memref<6x112xi32, #tpu.memory_space<vmem>>
            %dma_wait3A_463 = arith.constant 0 : i32
            %dma_wait3A_464 = arith.constant 0 : i32
            %dma_wait3A_465 = tpu.memref_slice %arg3[%select_n3A_11, %dma_wait3A_463, %dma_wait3A_464] : memref<480x6x112xi32, #tpu.memory_space<hbm>> -> memref<1x6x112xi32, #tpu.memory_space<hbm>>
            %dma_wait3A_466 = tpu.memref_squeeze %dma_wait3A_465 : memref<1x6x112xi32, #tpu.memory_space<hbm>> -> memref<6x112xi32, #tpu.memory_space<hbm>>
            tpu.wait_dma2 semaphore(%arg13 : memref<!tpu.dma_semaphore, #tpu.memory_space<semaphore_mem>>) src(%dma_wait3A_466 : memref<6x112xi32, #tpu.memory_space<hbm>>) dst(%dma_wait3A_462 : memref<6x112xi32, #tpu.memory_space<vmem>>)
          } else {
          }
          %rem3A_391 = arith.constant 3 : i32
          %rem3A_392 = arith.remsi %add3A_380, %rem3A_391 : i32
          %jit3A_393 = arith.constant 6 : i32
          %div3A_394 = arith.divsi %add3A_380, %jit3A_393 : i32
          %sign3A_395 = arith.constant 0 : i32
          %sign3A_396 = arith.cmpi sgt, %add3A_380, %sign3A_395 : i32
          %sign3A_397 = arith.extui %sign3A_396 : i1 to i32
          %sign3A_398 = arith.constant 0 : i32
          %sign3A_399 = arith.cmpi slt, %add3A_380, %sign3A_398 : i32
          %sign3A_400 = arith.extui %sign3A_399 : i1 to i32
          %sign3A_401 = arith.subi %sign3A_397, %sign3A_400 : i32
          %sign3A_402 = arith.constant 0 : i32
          %sign3A_403 = arith.cmpi sgt, %jit3A_393, %sign3A_402 : i32
          %sign3A_404 = arith.extui %sign3A_403 : i1 to i32
          %sign3A_405 = arith.constant 0 : i32
          %sign3A_406 = arith.cmpi slt, %jit3A_393, %sign3A_405 : i32
          %sign3A_407 = arith.extui %sign3A_406 : i1 to i32
          %sign3A_408 = arith.subi %sign3A_404, %sign3A_407 : i32
          %ne3A_409 = arith.cmpi ne, %sign3A_401, %sign3A_408 : i32
          %rem3A_410 = arith.remsi %add3A_380, %jit3A_393 : i32
          %ne3A_411 = arith.constant 0 : i32
          %ne3A_412 = arith.cmpi ne, %rem3A_410, %ne3A_411 : i32
          %and3A_413 = arith.andi %ne3A_409, %ne3A_412 : i1
          %sub3A_414 = arith.constant 1 : i32
          %sub3A_415 = arith.subi %div3A_394, %sub3A_414 : i32
          %select_n3A_416 = arith.select %and3A_413, %sub3A_415, %div3A_394 : i32
          %rem3A_417 = arith.constant 2 : i32
          %rem3A_418 = arith.remsi %select_n3A_416, %rem3A_417 : i32
          %rem3A_419 = arith.constant 6 : i32
          %rem3A_420 = arith.remsi %add3A_380, %rem3A_419 : i32
          %dma_start3A_421 = arith.constant 0 : i32
          %dma_start3A_422 = arith.constant 0 : i32
          %dma_start3A_423 = tpu.memref_slice %arg9[%rem3A_392, %dma_start3A_421, %dma_start3A_422] : memref<3x112x128xf32, #tpu.memory_space<vmem>> -> memref<1x112x128xf32, #tpu.memory_space<vmem>>
          %dma_start3A_424 = tpu.memref_squeeze %dma_start3A_423 : memref<1x112x128xf32, #tpu.memory_space<vmem>> -> memref<112x128xf32, #tpu.memory_space<vmem>>
          %dma_start3A_425 = arith.constant 0 : i32
          %dma_start3A_426 = tpu.memref_slice %arg7[%rem3A_418, %rem3A_420, %dma_start3A_425] : memref<2x6x112xi32, #tpu.memory_space<vmem>> -> memref<1x1x112xi32, #tpu.memory_space<vmem>>
          %dma_start3A_427 = tpu.memref_squeeze %dma_start3A_426 : memref<1x1x112xi32, #tpu.memory_space<vmem>> -> memref<112xi32, #tpu.memory_space<vmem>>
          %dma_start3A_428 = arith.constant 0 : i32
          %dma_start3A_429 = arith.constant 0 : i32
          %dma_start3A_430 = tpu.memref_slice %arg2[%dma_start3A_428, %dma_start3A_429] : memref<10000x128xf32, #tpu.memory_space<hbm>> -> memref<10000x128xf32, #tpu.memory_space<hbm>>
          %dma_start3A_431 = tpu.memref_slice %arg11[%rem3A_392] : memref<3x!tpu.dma_semaphore, #tpu.memory_space<semaphore_mem>> -> memref<1x!tpu.dma_semaphore, #tpu.memory_space<semaphore_mem>>
          %dma_start3A_432 = tpu.memref_squeeze %dma_start3A_431 : memref<1x!tpu.dma_semaphore, #tpu.memory_space<semaphore_mem>> -> memref<!tpu.dma_semaphore, #tpu.memory_space<semaphore_mem>>
          tpu.enqueue_indirect_dma source(%dma_start3A_430 : memref<10000x128xf32, #tpu.memory_space<hbm>>) target(%dma_start3A_424 : memref<112x128xf32, #tpu.memory_space<vmem>>) offsets(%dma_start3A_427 : memref<112xi32, #tpu.memory_space<vmem>>) semaphore(%dma_start3A_432 : memref<!tpu.dma_semaphore, #tpu.memory_space<semaphore_mem>>)
        } else {
        }
      }
      %while3A_215 = arith.constant 1 : i32
      scf.for %while3A_275 = %while3A_213 to %while3A_209 step %while3A_215  : i32 {
        %rem3A_276 = arith.constant 3 : i32
        %rem3A_277 = arith.remsi %while3A_275, %rem3A_276 : i32
        %dma_wait3A_278 = arith.constant 0 : i32
        %dma_wait3A_279 = arith.constant 0 : i32
        %dma_wait3A_280 = arith.constant 0 : i32
        %dma_wait3A_281 = arith.constant 0 : i32
        %dma_wait3A_282 = tpu.memref_slice %arg9[%rem3A_277, %dma_wait3A_280, %dma_wait3A_281] : memref<3x112x128xf32, #tpu.memory_space<vmem>> -> memref<1x112x128xf32, #tpu.memory_space<vmem>>
        %dma_wait3A_283 = tpu.memref_squeeze %dma_wait3A_282 : memref<1x112x128xf32, #tpu.memory_space<vmem>> -> memref<112x128xf32, #tpu.memory_space<vmem>>
        %dma_wait3A_284 = arith.constant 0 : i32
        %dma_wait3A_285 = tpu.memref_slice %arg7[%dma_wait3A_278, %dma_wait3A_279, %dma_wait3A_284] : memref<2x6x112xi32, #tpu.memory_space<vmem>> -> memref<1x1x112xi32, #tpu.memory_space<vmem>>
        %dma_wait3A_286 = tpu.memref_squeeze %dma_wait3A_285 : memref<1x1x112xi32, #tpu.memory_space<vmem>> -> memref<112xi32, #tpu.memory_space<vmem>>
        %dma_wait3A_287 = arith.constant 0 : i32
        %dma_wait3A_288 = arith.constant 0 : i32
        %dma_wait3A_289 = tpu.memref_slice %arg2[%dma_wait3A_287, %dma_wait3A_288] : memref<10000x128xf32, #tpu.memory_space<hbm>> -> memref<10000x128xf32, #tpu.memory_space<hbm>>
        %dma_wait3A_290 = tpu.memref_slice %arg11[%rem3A_277] : memref<3x!tpu.dma_semaphore, #tpu.memory_space<semaphore_mem>> -> memref<1x!tpu.dma_semaphore, #tpu.memory_space<semaphore_mem>>
        %dma_wait3A_291 = tpu.memref_squeeze %dma_wait3A_290 : memref<1x!tpu.dma_semaphore, #tpu.memory_space<semaphore_mem>> -> memref<!tpu.dma_semaphore, #tpu.memory_space<semaphore_mem>>
        tpu.wait_indirect_dma semaphore(%dma_wait3A_291 : memref<!tpu.dma_semaphore, #tpu.memory_space<semaphore_mem>>) src(%dma_wait3A_289 : memref<10000x128xf32, #tpu.memory_space<hbm>>) dst(%dma_wait3A_283 : memref<112x128xf32, #tpu.memory_space<vmem>>)
        %rem3A_292 = arith.constant 3 : i32
        %rem3A_293 = arith.remsi %while3A_275, %rem3A_292 : i32
        %jit3A = arith.constant 6 : i32
        %div3A = arith.divsi %while3A_275, %jit3A : i32
        %sign3A = arith.constant 0 : i32
        %sign3A_294 = arith.cmpi sgt, %while3A_275, %sign3A : i32
        %sign3A_295 = arith.extui %sign3A_294 : i1 to i32
        %sign3A_296 = arith.constant 0 : i32
        %sign3A_297 = arith.cmpi slt, %while3A_275, %sign3A_296 : i32
        %sign3A_298 = arith.extui %sign3A_297 : i1 to i32
        %sign3A_299 = arith.subi %sign3A_295, %sign3A_298 : i32
        %sign3A_300 = arith.constant 0 : i32
        %sign3A_301 = arith.cmpi sgt, %jit3A, %sign3A_300 : i32
        %sign3A_302 = arith.extui %sign3A_301 : i1 to i32
        %sign3A_303 = arith.constant 0 : i32
        %sign3A_304 = arith.cmpi slt, %jit3A, %sign3A_303 : i32
        %sign3A_305 = arith.extui %sign3A_304 : i1 to i32
        %sign3A_306 = arith.subi %sign3A_302, %sign3A_305 : i32
        %ne3A = arith.cmpi ne, %sign3A_299, %sign3A_306 : i32
        %rem3A_307 = arith.remsi %while3A_275, %jit3A : i32
        %ne3A_308 = arith.constant 0 : i32
        %ne3A_309 = arith.cmpi ne, %rem3A_307, %ne3A_308 : i32
        %and3A = arith.andi %ne3A, %ne3A_309 : i1
        %sub3A_310 = arith.constant 1 : i32
        %sub3A_311 = arith.subi %div3A, %sub3A_310 : i32
        %select_n3A_312 = arith.select %and3A, %sub3A_311, %div3A : i32
        %rem3A_313 = arith.constant 2 : i32
        %rem3A_314 = arith.remsi %select_n3A_312, %rem3A_313 : i32
        %rem3A_315 = arith.constant 6 : i32
        %rem3A_316 = arith.remsi %while3A_275, %rem3A_315 : i32
        %dma_start3A_317 = arith.constant 0 : i32
        %dma_start3A_318 = arith.constant 0 : i32
        %dma_start3A_319 = tpu.memref_slice %arg9[%rem3A_293, %dma_start3A_317, %dma_start3A_318] : memref<3x112x128xf32, #tpu.memory_space<vmem>> -> memref<1x112x128xf32, #tpu.memory_space<vmem>>
        %dma_start3A_320 = tpu.memref_squeeze %dma_start3A_319 : memref<1x112x128xf32, #tpu.memory_space<vmem>> -> memref<112x128xf32, #tpu.memory_space<vmem>>
        %dma_start3A_321 = arith.constant 0 : i32
        %dma_start3A_322 = tpu.memref_slice %arg8[%rem3A_314, %rem3A_316, %dma_start3A_321] : memref<2x6x112xi32, #tpu.memory_space<vmem>> -> memref<1x1x112xi32, #tpu.memory_space<vmem>>
        %dma_start3A_323 = tpu.memref_squeeze %dma_start3A_322 : memref<1x1x112xi32, #tpu.memory_space<vmem>> -> memref<112xi32, #tpu.memory_space<vmem>>
        %dma_start3A_324 = arith.constant 0 : i32
        %dma_start3A_325 = arith.constant 0 : i32
        %dma_start3A_326 = tpu.memref_slice %arg10[%dma_start3A_324, %dma_start3A_325] : memref<10112x128xf32, #tpu.memory_space<vmem_shared>> -> memref<10112x128xf32, #tpu.memory_space<vmem_shared>>
        %dma_start3A_327 = tpu.memref_slice %arg12[%rem3A_293] : memref<3x!tpu.dma_semaphore, #tpu.memory_space<semaphore_mem>> -> memref<1x!tpu.dma_semaphore, #tpu.memory_space<semaphore_mem>>
        %dma_start3A_328 = tpu.memref_squeeze %dma_start3A_327 : memref<1x!tpu.dma_semaphore, #tpu.memory_space<semaphore_mem>> -> memref<!tpu.dma_semaphore, #tpu.memory_space<semaphore_mem>>
        tpu.enqueue_indirect_dma source(%dma_start3A_320 : memref<112x128xf32, #tpu.memory_space<vmem>>) target(%dma_start3A_326 : memref<10112x128xf32, #tpu.memory_space<vmem_shared>>) offsets(%dma_start3A_323 : memref<112xi32, #tpu.memory_space<vmem>>) semaphore(%dma_start3A_328 : memref<!tpu.dma_semaphore, #tpu.memory_space<semaphore_mem>>) {add = true}
        %sub3A_329 = arith.constant 1 : i32
        %sub3A_330 = arith.subi %mul3A_3, %sub3A_329 : i32
        %sub3A_331 = arith.constant 2 : i32
        %sub3A_332 = arith.subi %sub3A_330, %sub3A_331 : i32
        %le3A = arith.cmpi sle, %while3A_275, %sub3A_332 : i32
        %convert_element_type3A_333 = arith.extui %le3A : i1 to i32
        %cond3A_334 = arith.constant 0 : i32
        %cond3A_335 = arith.cmpi ne, %convert_element_type3A_333, %cond3A_334 : i32
        scf.if %cond3A_335 {
          %ge3A = arith.constant 1 : i32
          %ge3A_336 = arith.cmpi sge, %while3A_275, %ge3A : i32
          %convert_element_type3A_337 = arith.extui %ge3A_336 : i1 to i32
          %cond3A_338 = arith.constant 0 : i32
          %cond3A_339 = arith.cmpi ne, %convert_element_type3A_337, %cond3A_338 : i32
          scf.if %cond3A_339 {
            %sub3A_433 = arith.constant 1 : i32
            %sub3A_434 = arith.subi %while3A_275, %sub3A_433 : i32
            %rem3A_435 = arith.constant 3 : i32
            %rem3A_436 = arith.remsi %sub3A_434, %rem3A_435 : i32
            %dma_wait3A_437 = arith.constant 0 : i32
            %dma_wait3A_438 = arith.constant 0 : i32
            %dma_wait3A_439 = arith.constant 0 : i32
            %dma_wait3A_440 = arith.constant 0 : i32
            %dma_wait3A_441 = tpu.memref_slice %arg9[%rem3A_436, %dma_wait3A_439, %dma_wait3A_440] : memref<3x112x128xf32, #tpu.memory_space<vmem>> -> memref<1x112x128xf32, #tpu.memory_space<vmem>>
            %dma_wait3A_442 = tpu.memref_squeeze %dma_wait3A_441 : memref<1x112x128xf32, #tpu.memory_space<vmem>> -> memref<112x128xf32, #tpu.memory_space<vmem>>
            %dma_wait3A_443 = arith.constant 0 : i32
            %dma_wait3A_444 = tpu.memref_slice %arg8[%dma_wait3A_437, %dma_wait3A_438, %dma_wait3A_443] : memref<2x6x112xi32, #tpu.memory_space<vmem>> -> memref<1x1x112xi32, #tpu.memory_space<vmem>>
            %dma_wait3A_445 = tpu.memref_squeeze %dma_wait3A_444 : memref<1x1x112xi32, #tpu.memory_space<vmem>> -> memref<112xi32, #tpu.memory_space<vmem>>
            %dma_wait3A_446 = arith.constant 0 : i32
            %dma_wait3A_447 = arith.constant 0 : i32
            %dma_wait3A_448 = tpu.memref_slice %arg10[%dma_wait3A_446, %dma_wait3A_447] : memref<10112x128xf32, #tpu.memory_space<vmem_shared>> -> memref<10112x128xf32, #tpu.memory_space<vmem_shared>>
            %dma_wait3A_449 = tpu.memref_slice %arg12[%rem3A_436] : memref<3x!tpu.dma_semaphore, #tpu.memory_space<semaphore_mem>> -> memref<1x!tpu.dma_semaphore, #tpu.memory_space<semaphore_mem>>
            %dma_wait3A_450 = tpu.memref_squeeze %dma_wait3A_449 : memref<1x!tpu.dma_semaphore, #tpu.memory_space<semaphore_mem>> -> memref<!tpu.dma_semaphore, #tpu.memory_space<semaphore_mem>>
            tpu.wait_indirect_dma semaphore(%dma_wait3A_450 : memref<!tpu.dma_semaphore, #tpu.memory_space<semaphore_mem>>) src(%dma_wait3A_442 : memref<112x128xf32, #tpu.memory_space<vmem>>) dst(%dma_wait3A_448 : memref<10112x128xf32, #tpu.memory_space<vmem_shared>>)
          } else {
          }
          %sub3A_340 = arith.constant 0 : i32
          %sub3A_341 = arith.subi %while3A_275, %sub3A_340 : i32
          %rem3A_342 = arith.constant 6 : i32
          %rem3A_343 = arith.remsi %sub3A_341, %rem3A_342 : i32
          %eq3A_344 = arith.constant 0 : i32
          %eq3A_345 = arith.cmpi eq, %rem3A_343, %eq3A_344 : i32
          %ge3A_346 = arith.constant 6 : i32
          %ge3A_347 = arith.cmpi sge, %while3A_275, %ge3A_346 : i32
          %jit3A_348 = arith.constant 6 : i32
          %div3A_349 = arith.divsi %while3A_275, %jit3A_348 : i32
          %sign3A_350 = arith.constant 0 : i32
          %sign3A_351 = arith.cmpi sgt, %while3A_275, %sign3A_350 : i32
          %sign3A_352 = arith.extui %sign3A_351 : i1 to i32
          %sign3A_353 = arith.constant 0 : i32
          %sign3A_354 = arith.cmpi slt, %while3A_275, %sign3A_353 : i32
          %sign3A_355 = arith.extui %sign3A_354 : i1 to i32
          %sign3A_356 = arith.subi %sign3A_352, %sign3A_355 : i32
          %sign3A_357 = arith.constant 0 : i32
          %sign3A_358 = arith.cmpi sgt, %jit3A_348, %sign3A_357 : i32
          %sign3A_359 = arith.extui %sign3A_358 : i1 to i32
          %sign3A_360 = arith.constant 0 : i32
          %sign3A_361 = arith.cmpi slt, %jit3A_348, %sign3A_360 : i32
          %sign3A_362 = arith.extui %sign3A_361 : i1 to i32
          %sign3A_363 = arith.subi %sign3A_359, %sign3A_362 : i32
          %ne3A_364 = arith.cmpi ne, %sign3A_356, %sign3A_363 : i32
          %rem3A_365 = arith.remsi %while3A_275, %jit3A_348 : i32
          %ne3A_366 = arith.constant 0 : i32
          %ne3A_367 = arith.cmpi ne, %rem3A_365, %ne3A_366 : i32
          %and3A_368 = arith.andi %ne3A_364, %ne3A_367 : i1
          %sub3A_369 = arith.constant 1 : i32
          %sub3A_370 = arith.subi %div3A_349, %sub3A_369 : i32
          %select_n3A_371 = arith.select %and3A_368, %sub3A_370, %div3A_349 : i32
          %add3A_372 = arith.constant 1 : i32
          %add3A_373 = arith.addi %select_n3A_371, %add3A_372 : i32
          %lt3A = arith.cmpi slt, %add3A_373, %select_n3A_2 : i32
          %and3A_374 = arith.andi %ge3A_347, %lt3A : i1
          %and3A_375 = arith.andi %eq3A_345, %and3A_374 : i1
          %convert_element_type3A_376 = arith.extui %and3A_375 : i1 to i32
          %cond3A_377 = arith.constant 0 : i32
          %cond3A_378 = arith.cmpi ne, %convert_element_type3A_376, %cond3A_377 : i32
          scf.if %cond3A_378 {
            %jit3A_433 = arith.constant 6 : i32
            %div3A_434 = arith.divsi %while3A_275, %jit3A_433 : i32
            %sign3A_435 = arith.constant 0 : i32
            %sign3A_436 = arith.cmpi sgt, %while3A_275, %sign3A_435 : i32
            %sign3A_437 = arith.extui %sign3A_436 : i1 to i32
            %sign3A_438 = arith.constant 0 : i32
            %sign3A_439 = arith.cmpi slt, %while3A_275, %sign3A_438 : i32
            %sign3A_440 = arith.extui %sign3A_439 : i1 to i32
            %sign3A_441 = arith.subi %sign3A_437, %sign3A_440 : i32
            %sign3A_442 = arith.constant 0 : i32
            %sign3A_443 = arith.cmpi sgt, %jit3A_433, %sign3A_442 : i32
            %sign3A_444 = arith.extui %sign3A_443 : i1 to i32
            %sign3A_445 = arith.constant 0 : i32
            %sign3A_446 = arith.cmpi slt, %jit3A_433, %sign3A_445 : i32
            %sign3A_447 = arith.extui %sign3A_446 : i1 to i32
            %sign3A_448 = arith.subi %sign3A_444, %sign3A_447 : i32
            %ne3A_449 = arith.cmpi ne, %sign3A_441, %sign3A_448 : i32
            %rem3A_450 = arith.remsi %while3A_275, %jit3A_433 : i32
            %ne3A_451 = arith.constant 0 : i32
            %ne3A_452 = arith.cmpi ne, %rem3A_450, %ne3A_451 : i32
            %and3A_453 = arith.andi %ne3A_449, %ne3A_452 : i1
            %sub3A_454 = arith.constant 1 : i32
            %sub3A_455 = arith.subi %div3A_434, %sub3A_454 : i32
            %select_n3A_456 = arith.select %and3A_453, %sub3A_455, %div3A_434 : i32
            %add3A_457 = arith.constant 1 : i32
            %add3A_458 = arith.addi %select_n3A_456, %add3A_457 : i32
            %rem3A_459 = arith.constant 2 : i32
            %rem3A_460 = arith.remsi %add3A_458, %rem3A_459 : i32
            %add3A_461 = arith.addi %select_n3A_11, %add3A_458 : i32
            %min3A_462 = arith.constant 479 : i32
            %min3A_463 = arith.minsi %add3A_461, %min3A_462 : i32
            %dma_start3A_464 = arith.constant 0 : i32
            %dma_start3A_465 = arith.constant 0 : i32
            %dma_start3A_466 = tpu.memref_slice %arg7[%rem3A_460, %dma_start3A_464, %dma_start3A_465] : memref<2x6x112xi32, #tpu.memory_space<vmem>> -> memref<1x6x112xi32, #tpu.memory_space<vmem>>
            %dma_start3A_467 = tpu.memref_squeeze %dma_start3A_466 : memref<1x6x112xi32, #tpu.memory_space<vmem>> -> memref<6x112xi32, #tpu.memory_space<vmem>>
            %dma_start3A_468 = arith.constant 0 : i32
            %dma_start3A_469 = arith.constant 0 : i32
            %dma_start3A_470 = tpu.memref_slice %arg3[%min3A_463, %dma_start3A_468, %dma_start3A_469] : memref<480x6x112xi32, #tpu.memory_space<hbm>> -> memref<1x6x112xi32, #tpu.memory_space<hbm>>
            %dma_start3A_471 = tpu.memref_squeeze %dma_start3A_470 : memref<1x6x112xi32, #tpu.memory_space<hbm>> -> memref<6x112xi32, #tpu.memory_space<hbm>>
            %dma_start3A_472 = arith.constant 0 : i32
            %dma_start3A_473 = arith.constant 0 : i32
            %dma_start3A_474 = tpu.memref_slice %arg7[%rem3A_460, %dma_start3A_472, %dma_start3A_473] : memref<2x6x112xi32, #tpu.memory_space<vmem>> -> memref<1x6x112xi32, #tpu.memory_space<vmem>>
            %dma_start3A_475 = tpu.memref_squeeze %dma_start3A_474 : memref<1x6x112xi32, #tpu.memory_space<vmem>> -> memref<6x112xi32, #tpu.memory_space<vmem>>
            %dma_start3A_476 = arith.constant 0 : i32
            %dma_start3A_477 = arith.constant 0 : i32
            %dma_start3A_478 = tpu.memref_slice %arg3[%min3A_463, %dma_start3A_476, %dma_start3A_477] : memref<480x6x112xi32, #tpu.memory_space<hbm>> -> memref<1x6x112xi32, #tpu.memory_space<hbm>>
            %dma_start3A_479 = tpu.memref_squeeze %dma_start3A_478 : memref<1x6x112xi32, #tpu.memory_space<hbm>> -> memref<6x112xi32, #tpu.memory_space<hbm>>
            tpu.enqueue_dma source(%dma_start3A_479 : memref<6x112xi32, #tpu.memory_space<hbm>>) target(%dma_start3A_475 : memref<6x112xi32, #tpu.memory_space<vmem>>) target_semaphore(%arg13 : memref<!tpu.dma_semaphore, #tpu.memory_space<semaphore_mem>>)
            %dma_start3A_480 = arith.constant 0 : i32
            %dma_start3A_481 = arith.constant 0 : i32
            %dma_start3A_482 = tpu.memref_slice %arg8[%rem3A_460, %dma_start3A_480, %dma_start3A_481] : memref<2x6x112xi32, #tpu.memory_space<vmem>> -> memref<1x6x112xi32, #tpu.memory_space<vmem>>
            %dma_start3A_483 = tpu.memref_squeeze %dma_start3A_482 : memref<1x6x112xi32, #tpu.memory_space<vmem>> -> memref<6x112xi32, #tpu.memory_space<vmem>>
            %dma_start3A_484 = arith.constant 0 : i32
            %dma_start3A_485 = arith.constant 0 : i32
            %dma_start3A_486 = tpu.memref_slice %arg4[%min3A_463, %dma_start3A_484, %dma_start3A_485] : memref<480x6x112xi32, #tpu.memory_space<hbm>> -> memref<1x6x112xi32, #tpu.memory_space<hbm>>
            %dma_start3A_487 = tpu.memref_squeeze %dma_start3A_486 : memref<1x6x112xi32, #tpu.memory_space<hbm>> -> memref<6x112xi32, #tpu.memory_space<hbm>>
            %dma_start3A_488 = arith.constant 0 : i32
            %dma_start3A_489 = arith.constant 0 : i32
            %dma_start3A_490 = tpu.memref_slice %arg8[%rem3A_460, %dma_start3A_488, %dma_start3A_489] : memref<2x6x112xi32, #tpu.memory_space<vmem>> -> memref<1x6x112xi32, #tpu.memory_space<vmem>>
            %dma_start3A_491 = tpu.memref_squeeze %dma_start3A_490 : memref<1x6x112xi32, #tpu.memory_space<vmem>> -> memref<6x112xi32, #tpu.memory_space<vmem>>
            %dma_start3A_492 = arith.constant 0 : i32
            %dma_start3A_493 = arith.constant 0 : i32
            %dma_start3A_494 = tpu.memref_slice %arg4[%min3A_463, %dma_start3A_492, %dma_start3A_493] : memref<480x6x112xi32, #tpu.memory_space<hbm>> -> memref<1x6x112xi32, #tpu.memory_space<hbm>>
            %dma_start3A_495 = tpu.memref_squeeze %dma_start3A_494 : memref<1x6x112xi32, #tpu.memory_space<hbm>> -> memref<6x112xi32, #tpu.memory_space<hbm>>
            tpu.enqueue_dma source(%dma_start3A_495 : memref<6x112xi32, #tpu.memory_space<hbm>>) target(%dma_start3A_491 : memref<6x112xi32, #tpu.memory_space<vmem>>) target_semaphore(%arg13 : memref<!tpu.dma_semaphore, #tpu.memory_space<semaphore_mem>>)
          } else {
          }
          %add3A_379 = arith.constant 2 : i32
          %add3A_380 = arith.addi %while3A_275, %add3A_379 : i32
          %rem3A_381 = arith.constant 6 : i32
          %rem3A_382 = arith.remsi %add3A_380, %rem3A_381 : i32
          %eq3A_383 = arith.constant 0 : i32
          %eq3A_384 = arith.cmpi eq, %rem3A_382, %eq3A_383 : i32
          %ge3A_385 = arith.constant 12 : i32
          %ge3A_386 = arith.cmpi sge, %add3A_380, %ge3A_385 : i32
          %and3A_387 = arith.andi %eq3A_384, %ge3A_386 : i1
          %convert_element_type3A_388 = arith.extui %and3A_387 : i1 to i32
          %cond3A_389 = arith.constant 0 : i32
          %cond3A_390 = arith.cmpi ne, %convert_element_type3A_388, %cond3A_389 : i32
          scf.if %cond3A_390 {
            %dma_wait3A_433 = arith.constant 0 : i32
            %dma_wait3A_434 = arith.constant 0 : i32
            %dma_wait3A_435 = arith.constant 0 : i32
            %dma_wait3A_436 = tpu.memref_slice %arg7[%dma_wait3A_433, %dma_wait3A_434, %dma_wait3A_435] : memref<2x6x112xi32, #tpu.memory_space<vmem>> -> memref<1x6x112xi32, #tpu.memory_space<vmem>>
            %dma_wait3A_437 = tpu.memref_squeeze %dma_wait3A_436 : memref<1x6x112xi32, #tpu.memory_space<vmem>> -> memref<6x112xi32, #tpu.memory_space<vmem>>
            %dma_wait3A_438 = arith.constant 0 : i32
            %dma_wait3A_439 = arith.constant 0 : i32
            %dma_wait3A_440 = tpu.memref_slice %arg3[%select_n3A_11, %dma_wait3A_438, %dma_wait3A_439] : memref<480x6x112xi32, #tpu.memory_space<hbm>> -> memref<1x6x112xi32, #tpu.memory_space<hbm>>
            %dma_wait3A_441 = tpu.memref_squeeze %dma_wait3A_440 : memref<1x6x112xi32, #tpu.memory_space<hbm>> -> memref<6x112xi32, #tpu.memory_space<hbm>>
            %dma_wait3A_442 = arith.constant 0 : i32
            %dma_wait3A_443 = arith.constant 0 : i32
            %dma_wait3A_444 = tpu.memref_slice %arg7[%dma_wait3A_433, %dma_wait3A_442, %dma_wait3A_443] : memref<2x6x112xi32, #tpu.memory_space<vmem>> -> memref<1x6x112xi32, #tpu.memory_space<vmem>>
            %dma_wait3A_445 = tpu.memref_squeeze %dma_wait3A_444 : memref<1x6x112xi32, #tpu.memory_space<vmem>> -> memref<6x112xi32, #tpu.memory_space<vmem>>
            %dma_wait3A_446 = arith.constant 0 : i32
            %dma_wait3A_447 = arith.constant 0 : i32
            %dma_wait3A_448 = tpu.memref_slice %arg3[%select_n3A_11, %dma_wait3A_446, %dma_wait3A_447] : memref<480x6x112xi32, #tpu.memory_space<hbm>> -> memref<1x6x112xi32, #tpu.memory_space<hbm>>
            %dma_wait3A_449 = tpu.memref_squeeze %dma_wait3A_448 : memref<1x6x112xi32, #tpu.memory_space<hbm>> -> memref<6x112xi32, #tpu.memory_space<hbm>>
            tpu.wait_dma2 semaphore(%arg13 : memref<!tpu.dma_semaphore, #tpu.memory_space<semaphore_mem>>) src(%dma_wait3A_449 : memref<6x112xi32, #tpu.memory_space<hbm>>) dst(%dma_wait3A_445 : memref<6x112xi32, #tpu.memory_space<vmem>>)
            %dma_wait3A_450 = arith.constant 0 : i32
            %dma_wait3A_451 = arith.constant 0 : i32
            %dma_wait3A_452 = arith.constant 0 : i32
            %dma_wait3A_453 = tpu.memref_slice %arg7[%dma_wait3A_450, %dma_wait3A_451, %dma_wait3A_452] : memref<2x6x112xi32, #tpu.memory_space<vmem>> -> memref<1x6x112xi32, #tpu.memory_space<vmem>>
            %dma_wait3A_454 = tpu.memref_squeeze %dma_wait3A_453 : memref<1x6x112xi32, #tpu.memory_space<vmem>> -> memref<6x112xi32, #tpu.memory_space<vmem>>
            %dma_wait3A_455 = arith.constant 0 : i32
            %dma_wait3A_456 = arith.constant 0 : i32
            %dma_wait3A_457 = tpu.memref_slice %arg3[%select_n3A_11, %dma_wait3A_455, %dma_wait3A_456] : memref<480x6x112xi32, #tpu.memory_space<hbm>> -> memref<1x6x112xi32, #tpu.memory_space<hbm>>
            %dma_wait3A_458 = tpu.memref_squeeze %dma_wait3A_457 : memref<1x6x112xi32, #tpu.memory_space<hbm>> -> memref<6x112xi32, #tpu.memory_space<hbm>>
            %dma_wait3A_459 = arith.constant 0 : i32
            %dma_wait3A_460 = arith.constant 0 : i32
            %dma_wait3A_461 = tpu.memref_slice %arg7[%dma_wait3A_450, %dma_wait3A_459, %dma_wait3A_460] : memref<2x6x112xi32, #tpu.memory_space<vmem>> -> memref<1x6x112xi32, #tpu.memory_space<vmem>>
            %dma_wait3A_462 = tpu.memref_squeeze %dma_wait3A_461 : memref<1x6x112xi32, #tpu.memory_space<vmem>> -> memref<6x112xi32, #tpu.memory_space<vmem>>
            %dma_wait3A_463 = arith.constant 0 : i32
            %dma_wait3A_464 = arith.constant 0 : i32
            %dma_wait3A_465 = tpu.memref_slice %arg3[%select_n3A_11, %dma_wait3A_463, %dma_wait3A_464] : memref<480x6x112xi32, #tpu.memory_space<hbm>> -> memref<1x6x112xi32, #tpu.memory_space<hbm>>
            %dma_wait3A_466 = tpu.memref_squeeze %dma_wait3A_465 : memref<1x6x112xi32, #tpu.memory_space<hbm>> -> memref<6x112xi32, #tpu.memory_space<hbm>>
            tpu.wait_dma2 semaphore(%arg13 : memref<!tpu.dma_semaphore, #tpu.memory_space<semaphore_mem>>) src(%dma_wait3A_466 : memref<6x112xi32, #tpu.memory_space<hbm>>) dst(%dma_wait3A_462 : memref<6x112xi32, #tpu.memory_space<vmem>>)
          } else {
          }
          %rem3A_391 = arith.constant 3 : i32
          %rem3A_392 = arith.remsi %add3A_380, %rem3A_391 : i32
          %jit3A_393 = arith.constant 6 : i32
          %div3A_394 = arith.divsi %add3A_380, %jit3A_393 : i32
          %sign3A_395 = arith.constant 0 : i32
          %sign3A_396 = arith.cmpi sgt, %add3A_380, %sign3A_395 : i32
          %sign3A_397 = arith.extui %sign3A_396 : i1 to i32
          %sign3A_398 = arith.constant 0 : i32
          %sign3A_399 = arith.cmpi slt, %add3A_380, %sign3A_398 : i32
          %sign3A_400 = arith.extui %sign3A_399 : i1 to i32
          %sign3A_401 = arith.subi %sign3A_397, %sign3A_400 : i32
          %sign3A_402 = arith.constant 0 : i32
          %sign3A_403 = arith.cmpi sgt, %jit3A_393, %sign3A_402 : i32
          %sign3A_404 = arith.extui %sign3A_403 : i1 to i32
          %sign3A_405 = arith.constant 0 : i32
          %sign3A_406 = arith.cmpi slt, %jit3A_393, %sign3A_405 : i32
          %sign3A_407 = arith.extui %sign3A_406 : i1 to i32
          %sign3A_408 = arith.subi %sign3A_404, %sign3A_407 : i32
          %ne3A_409 = arith.cmpi ne, %sign3A_401, %sign3A_408 : i32
          %rem3A_410 = arith.remsi %add3A_380, %jit3A_393 : i32
          %ne3A_411 = arith.constant 0 : i32
          %ne3A_412 = arith.cmpi ne, %rem3A_410, %ne3A_411 : i32
          %and3A_413 = arith.andi %ne3A_409, %ne3A_412 : i1
          %sub3A_414 = arith.constant 1 : i32
          %sub3A_415 = arith.subi %div3A_394, %sub3A_414 : i32
          %select_n3A_416 = arith.select %and3A_413, %sub3A_415, %div3A_394 : i32
          %rem3A_417 = arith.constant 2 : i32
          %rem3A_418 = arith.remsi %select_n3A_416, %rem3A_417 : i32
          %rem3A_419 = arith.constant 6 : i32
          %rem3A_420 = arith.remsi %add3A_380, %rem3A_419 : i32
          %dma_start3A_421 = arith.constant 0 : i32
          %dma_start3A_422 = arith.constant 0 : i32
          %dma_start3A_423 = tpu.memref_slice %arg9[%rem3A_392, %dma_start3A_421, %dma_start3A_422] : memref<3x112x128xf32, #tpu.memory_space<vmem>> -> memref<1x112x128xf32, #tpu.memory_space<vmem>>
          %dma_start3A_424 = tpu.memref_squeeze %dma_start3A_423 : memref<1x112x128xf32, #tpu.memory_space<vmem>> -> memref<112x128xf32, #tpu.memory_space<vmem>>
          %dma_start3A_425 = arith.constant 0 : i32
          %dma_start3A_426 = tpu.memref_slice %arg7[%rem3A_418, %rem3A_420, %dma_start3A_425] : memref<2x6x112xi32, #tpu.memory_space<vmem>> -> memref<1x1x112xi32, #tpu.memory_space<vmem>>
          %dma_start3A_427 = tpu.memref_squeeze %dma_start3A_426 : memref<1x1x112xi32, #tpu.memory_space<vmem>> -> memref<112xi32, #tpu.memory_space<vmem>>
          %dma_start3A_428 = arith.constant 0 : i32
          %dma_start3A_429 = arith.constant 0 : i32
          %dma_start3A_430 = tpu.memref_slice %arg2[%dma_start3A_428, %dma_start3A_429] : memref<10000x128xf32, #tpu.memory_space<hbm>> -> memref<10000x128xf32, #tpu.memory_space<hbm>>
          %dma_start3A_431 = tpu.memref_slice %arg11[%rem3A_392] : memref<3x!tpu.dma_semaphore, #tpu.memory_space<semaphore_mem>> -> memref<1x!tpu.dma_semaphore, #tpu.memory_space<semaphore_mem>>
          %dma_start3A_432 = tpu.memref_squeeze %dma_start3A_431 : memref<1x!tpu.dma_semaphore, #tpu.memory_space<semaphore_mem>> -> memref<!tpu.dma_semaphore, #tpu.memory_space<semaphore_mem>>
          tpu.enqueue_indirect_dma source(%dma_start3A_430 : memref<10000x128xf32, #tpu.memory_space<hbm>>) target(%dma_start3A_424 : memref<112x128xf32, #tpu.memory_space<vmem>>) offsets(%dma_start3A_427 : memref<112xi32, #tpu.memory_space<vmem>>) semaphore(%dma_start3A_432 : memref<!tpu.dma_semaphore, #tpu.memory_space<semaphore_mem>>)
        } else {
        }
      }
      %sub3A = arith.constant 3 : i32
      %sub3A_216 = arith.subi %mul3A_3, %sub3A : i32
      %add3A_217 = arith.constant 0 : i32
      %add3A_218 = arith.addi %sub3A_216, %add3A_217 : i32
      %rem3A_219 = arith.constant 3 : i32
      %rem3A_220 = arith.remsi %add3A_218, %rem3A_219 : i32
      %dma_wait3A_221 = arith.constant 0 : i32
      %dma_wait3A_222 = arith.constant 0 : i32
      %dma_wait3A_223 = arith.constant 0 : i32
      %dma_wait3A_224 = arith.constant 0 : i32
      %dma_wait3A_225 = tpu.memref_slice %arg9[%rem3A_220, %dma_wait3A_223, %dma_wait3A_224] : memref<3x112x128xf32, #tpu.memory_space<vmem>> -> memref<1x112x128xf32, #tpu.memory_space<vmem>>
      %dma_wait3A_226 = tpu.memref_squeeze %dma_wait3A_225 : memref<1x112x128xf32, #tpu.memory_space<vmem>> -> memref<112x128xf32, #tpu.memory_space<vmem>>
      %dma_wait3A_227 = arith.constant 0 : i32
      %dma_wait3A_228 = tpu.memref_slice %arg8[%dma_wait3A_221, %dma_wait3A_222, %dma_wait3A_227] : memref<2x6x112xi32, #tpu.memory_space<vmem>> -> memref<1x1x112xi32, #tpu.memory_space<vmem>>
      %dma_wait3A_229 = tpu.memref_squeeze %dma_wait3A_228 : memref<1x1x112xi32, #tpu.memory_space<vmem>> -> memref<112xi32, #tpu.memory_space<vmem>>
      %dma_wait3A_230 = arith.constant 0 : i32
      %dma_wait3A_231 = arith.constant 0 : i32
      %dma_wait3A_232 = tpu.memref_slice %arg10[%dma_wait3A_230, %dma_wait3A_231] : memref<10112x128xf32, #tpu.memory_space<vmem_shared>> -> memref<10112x128xf32, #tpu.memory_space<vmem_shared>>
      %dma_wait3A_233 = tpu.memref_slice %arg12[%rem3A_220] : memref<3x!tpu.dma_semaphore, #tpu.memory_space<semaphore_mem>> -> memref<1x!tpu.dma_semaphore, #tpu.memory_space<semaphore_mem>>
      %dma_wait3A_234 = tpu.memref_squeeze %dma_wait3A_233 : memref<1x!tpu.dma_semaphore, #tpu.memory_space<semaphore_mem>> -> memref<!tpu.dma_semaphore, #tpu.memory_space<semaphore_mem>>
      tpu.wait_indirect_dma semaphore(%dma_wait3A_234 : memref<!tpu.dma_semaphore, #tpu.memory_space<semaphore_mem>>) src(%dma_wait3A_226 : memref<112x128xf32, #tpu.memory_space<vmem>>) dst(%dma_wait3A_232 : memref<10112x128xf32, #tpu.memory_space<vmem_shared>>)
      %sub3A_235 = arith.constant 3 : i32
      %sub3A_236 = arith.subi %mul3A_3, %sub3A_235 : i32
      %add3A_237 = arith.constant 1 : i32
      %add3A_238 = arith.addi %sub3A_236, %add3A_237 : i32
      %rem3A_239 = arith.constant 3 : i32
      %rem3A_240 = arith.remsi %add3A_238, %rem3A_239 : i32
      %dma_wait3A_241 = arith.constant 0 : i32
      %dma_wait3A_242 = arith.constant 0 : i32
      %dma_wait3A_243 = arith.constant 0 : i32
      %dma_wait3A_244 = arith.constant 0 : i32
      %dma_wait3A_245 = tpu.memref_slice %arg9[%rem3A_240, %dma_wait3A_243, %dma_wait3A_244] : memref<3x112x128xf32, #tpu.memory_space<vmem>> -> memref<1x112x128xf32, #tpu.memory_space<vmem>>
      %dma_wait3A_246 = tpu.memref_squeeze %dma_wait3A_245 : memref<1x112x128xf32, #tpu.memory_space<vmem>> -> memref<112x128xf32, #tpu.memory_space<vmem>>
      %dma_wait3A_247 = arith.constant 0 : i32
      %dma_wait3A_248 = tpu.memref_slice %arg8[%dma_wait3A_241, %dma_wait3A_242, %dma_wait3A_247] : memref<2x6x112xi32, #tpu.memory_space<vmem>> -> memref<1x1x112xi32, #tpu.memory_space<vmem>>
      %dma_wait3A_249 = tpu.memref_squeeze %dma_wait3A_248 : memref<1x1x112xi32, #tpu.memory_space<vmem>> -> memref<112xi32, #tpu.memory_space<vmem>>
      %dma_wait3A_250 = arith.constant 0 : i32
      %dma_wait3A_251 = arith.constant 0 : i32
      %dma_wait3A_252 = tpu.memref_slice %arg10[%dma_wait3A_250, %dma_wait3A_251] : memref<10112x128xf32, #tpu.memory_space<vmem_shared>> -> memref<10112x128xf32, #tpu.memory_space<vmem_shared>>
      %dma_wait3A_253 = tpu.memref_slice %arg12[%rem3A_240] : memref<3x!tpu.dma_semaphore, #tpu.memory_space<semaphore_mem>> -> memref<1x!tpu.dma_semaphore, #tpu.memory_space<semaphore_mem>>
      %dma_wait3A_254 = tpu.memref_squeeze %dma_wait3A_253 : memref<1x!tpu.dma_semaphore, #tpu.memory_space<semaphore_mem>> -> memref<!tpu.dma_semaphore, #tpu.memory_space<semaphore_mem>>
      tpu.wait_indirect_dma semaphore(%dma_wait3A_254 : memref<!tpu.dma_semaphore, #tpu.memory_space<semaphore_mem>>) src(%dma_wait3A_246 : memref<112x128xf32, #tpu.memory_space<vmem>>) dst(%dma_wait3A_252 : memref<10112x128xf32, #tpu.memory_space<vmem_shared>>)
      %sub3A_255 = arith.constant 3 : i32
      %sub3A_256 = arith.subi %mul3A_3, %sub3A_255 : i32
      %add3A_257 = arith.constant 2 : i32
      %add3A_258 = arith.addi %sub3A_256, %add3A_257 : i32
      %rem3A_259 = arith.constant 3 : i32
      %rem3A_260 = arith.remsi %add3A_258, %rem3A_259 : i32
      %dma_wait3A_261 = arith.constant 0 : i32
      %dma_wait3A_262 = arith.constant 0 : i32
      %dma_wait3A_263 = arith.constant 0 : i32
      %dma_wait3A_264 = arith.constant 0 : i32
      %dma_wait3A_265 = tpu.memref_slice %arg9[%rem3A_260, %dma_wait3A_263, %dma_wait3A_264] : memref<3x112x128xf32, #tpu.memory_space<vmem>> -> memref<1x112x128xf32, #tpu.memory_space<vmem>>
      %dma_wait3A_266 = tpu.memref_squeeze %dma_wait3A_265 : memref<1x112x128xf32, #tpu.memory_space<vmem>> -> memref<112x128xf32, #tpu.memory_space<vmem>>
      %dma_wait3A_267 = arith.constant 0 : i32
      %dma_wait3A_268 = tpu.memref_slice %arg8[%dma_wait3A_261, %dma_wait3A_262, %dma_wait3A_267] : memref<2x6x112xi32, #tpu.memory_space<vmem>> -> memref<1x1x112xi32, #tpu.memory_space<vmem>>
      %dma_wait3A_269 = tpu.memref_squeeze %dma_wait3A_268 : memref<1x1x112xi32, #tpu.memory_space<vmem>> -> memref<112xi32, #tpu.memory_space<vmem>>
      %dma_wait3A_270 = arith.constant 0 : i32
      %dma_wait3A_271 = arith.constant 0 : i32
      %dma_wait3A_272 = tpu.memref_slice %arg10[%dma_wait3A_270, %dma_wait3A_271] : memref<10112x128xf32, #tpu.memory_space<vmem_shared>> -> memref<10112x128xf32, #tpu.memory_space<vmem_shared>>
      %dma_wait3A_273 = tpu.memref_slice %arg12[%rem3A_260] : memref<3x!tpu.dma_semaphore, #tpu.memory_space<semaphore_mem>> -> memref<1x!tpu.dma_semaphore, #tpu.memory_space<semaphore_mem>>
      %dma_wait3A_274 = tpu.memref_squeeze %dma_wait3A_273 : memref<1x!tpu.dma_semaphore, #tpu.memory_space<semaphore_mem>> -> memref<!tpu.dma_semaphore, #tpu.memory_space<semaphore_mem>>
      tpu.wait_indirect_dma semaphore(%dma_wait3A_274 : memref<!tpu.dma_semaphore, #tpu.memory_space<semaphore_mem>>) src(%dma_wait3A_266 : memref<112x128xf32, #tpu.memory_space<vmem>>) dst(%dma_wait3A_272 : memref<10112x128xf32, #tpu.memory_space<vmem_shared>>)
    } else {
    }
    %barrier3A_18 = arith.constant 0 : index
    tpu.barrier barrier_id(%barrier3A_18)
    %mul3A_19 = arith.constant 632 : i32
    %mul3A_20 = arith.muli %arg1, %mul3A_19 : i32
    %mul3A_21 = arith.constant 632 : i32
    %mul3A_22 = arith.muli %arg1, %mul3A_21 : i32
    "tpu.region"() ({
      %run_scoped3A = tpu.sem_alloc : memref<!tpu.dma_semaphore, #tpu.memory_space<semaphore_mem>>
      %dma_start3A = arith.constant 0 : i32
      %dma_start3A_23 = arith.constant 0 : i32
      %dma_start3A_24 = tpu.memref_slice %arg6[%arg0, %dma_start3A, %dma_start3A_23] : memref<2x10112x128xf32, #tpu.memory_space<hbm>> -> memref<1x10112x128xf32, #tpu.memory_space<hbm>>
      %dma_start3A_25 = tpu.memref_squeeze %dma_start3A_24 : memref<1x10112x128xf32, #tpu.memory_space<hbm>> -> memref<10112x128xf32, #tpu.memory_space<hbm>>
      %dma_start3A_26 = arith.constant 0 : i32
      %dma_start3A_27 = tpu.memref_slice %dma_start3A_25[%mul3A_22, %dma_start3A_26] : memref<10112x128xf32, #tpu.memory_space<hbm>> -> memref<632x128xf32, #tpu.memory_space<hbm>>
      %dma_start3A_28 = arith.constant 0 : i32
      %dma_start3A_29 = tpu.memref_slice %arg10[%mul3A_20, %dma_start3A_28] : memref<10112x128xf32, #tpu.memory_space<vmem_shared>> -> memref<632x128xf32, #tpu.memory_space<vmem_shared>>
      tpu.enqueue_dma source(%dma_start3A_29 : memref<632x128xf32, #tpu.memory_space<vmem_shared>>) target(%dma_start3A_27 : memref<632x128xf32, #tpu.memory_space<hbm>>) target_semaphore(%run_scoped3A : memref<!tpu.dma_semaphore, #tpu.memory_space<semaphore_mem>>)
      %dma_wait3A = arith.constant 0 : i32
      %dma_wait3A_30 = arith.constant 0 : i32
      %dma_wait3A_31 = tpu.memref_slice %arg6[%arg0, %dma_wait3A, %dma_wait3A_30] : memref<2x10112x128xf32, #tpu.memory_space<hbm>> -> memref<1x10112x128xf32, #tpu.memory_space<hbm>>
      %dma_wait3A_32 = tpu.memref_squeeze %dma_wait3A_31 : memref<1x10112x128xf32, #tpu.memory_space<hbm>> -> memref<10112x128xf32, #tpu.memory_space<hbm>>
      %dma_wait3A_33 = arith.constant 0 : i32
      %dma_wait3A_34 = tpu.memref_slice %dma_wait3A_32[%mul3A_22, %dma_wait3A_33] : memref<10112x128xf32, #tpu.memory_space<hbm>> -> memref<632x128xf32, #tpu.memory_space<hbm>>
      %dma_wait3A_35 = arith.constant 0 : i32
      %dma_wait3A_36 = tpu.memref_slice %arg10[%mul3A_20, %dma_wait3A_35] : memref<10112x128xf32, #tpu.memory_space<vmem_shared>> -> memref<632x128xf32, #tpu.memory_space<vmem_shared>>
      tpu.wait_dma2 semaphore(%run_scoped3A : memref<!tpu.dma_semaphore, #tpu.memory_space<semaphore_mem>>) src(%dma_wait3A_36 : memref<632x128xf32, #tpu.memory_space<vmem_shared>>) dst(%dma_wait3A_34 : memref<632x128xf32, #tpu.memory_space<hbm>>)
      tpu.yield
    }) : () -> ()
    return
  }
}

module attributes {stable_mosaic.version = 14 : i64} {
  func.func @_dred_body(%arg0: i32, %arg1: memref<32x10112xf32, #tpu.memory_space<vmem>>, %arg2: memref<10112x1xf32, #tpu.memory_space<vmem>>) attributes {dimension_semantics = [#tpu.dimension_semantics<arbitrary>], iteration_bounds = array<i64: 1>, scalar_prefetch = 0 : i64, scratch_operands = 0 : i64, tpu.core_type = #tpu.core_type<tc>, window_params = [{pipeline_mode = #tpu.pipeline_mode<synchronous>, transform_indices = @transform_0, window_bounds = array<i64: 32, 10112>}, {pipeline_mode = #tpu.pipeline_mode<synchronous>, transform_indices = @transform_1, window_bounds = array<i64: 10112, 1>}]} {
    %get3A = arith.constant 0 : index
    %get3A_0 = arith.constant 0 : index
    %get3A_1 = vector.load %arg1[%get3A, %get3A_0] : memref<32x10112xf32, #tpu.memory_space<vmem>>, vector<32x10112xf32>
    %reduce_sum3A = arith.constant dense<0.000000e+00> : vector<10112xf32>
    %reduce_sum3A_2 = vector.multi_reduction <add>, %get3A_1, %reduce_sum3A [0] : vector<32x10112xf32> to vector<10112xf32>
    %add3A = arith.constant 1.000000e+00 : f32
    %add3A_3 = vector.broadcast %add3A : f32 to vector<10112xf32>
    %add3A_4 = arith.addf %reduce_sum3A_2, %add3A_3 : vector<10112xf32>
    %rsqrt3A = math.rsqrt %add3A_4 : vector<10112xf32>
    %broadcast_in_dim3A = vector.shape_cast %rsqrt3A : vector<10112xf32> to vector<10112x1xf32>
    %swap3A = arith.constant 0 : index
    %swap3A_5 = arith.constant 0 : index
    %swap3A_6 = vector.load %arg2[%swap3A, %swap3A_5] : memref<10112x1xf32, #tpu.memory_space<vmem>>, vector<10112x1xf32>
    tpu.vector_store %arg2[%swap3A, %swap3A_5], %broadcast_in_dim3A {strides = array<i32>} : memref<10112x1xf32, #tpu.memory_space<vmem>>, vector<10112x1xf32>,
    return
  }
  func.func @transform_0(%arg0: i32) -> (i32, i32) {
    %c0_i32 = arith.constant 0 : i32
    %c0_i32_0 = arith.constant 0 : i32
    %c0_i32_1 = arith.constant 0 : i32
    return %c0_i32, %c0_i32_0 : i32, i32
  }
  func.func @transform_1(%arg0: i32) -> (i32, i32) {
    %c0_i32 = arith.constant 0 : i32
    %c0_i32_0 = arith.constant 0 : i32
    %c0_i32_1 = arith.constant 0 : i32
    return %c0_i32, %c0_i32_0 : i32, i32
  }
}

module attributes {stable_mosaic.version = 14 : i64} {
  func.func @_mms_body(%arg0: i32, %arg1: memref<1000x128xf32, #tpu.memory_space<vmem>>, %arg2: memref<128x128xf32, #tpu.memory_space<vmem>>, %arg3: memref<1000x1xf32, #tpu.memory_space<vmem>>, %arg4: memref<1000x128xf32, #tpu.memory_space<vmem>>) attributes {dimension_semantics = [#tpu.dimension_semantics<arbitrary>], iteration_bounds = array<i64: 10>, scalar_prefetch = 0 : i64, scratch_operands = 0 : i64, tpu.core_type = #tpu.core_type<tc>, window_params = [{transform_indices = @transform_0, window_bounds = array<i64: 1000, 128>}, {pipeline_mode = #tpu.pipeline_mode<synchronous>, transform_indices = @transform_1, window_bounds = array<i64: 128, 128>}, {transform_indices = @transform_2, window_bounds = array<i64: 1000, 1>}, {transform_indices = @transform_3, window_bounds = array<i64: 1000, 128>}]} {
    %get3A = arith.constant 0 : index
    %get3A_0 = arith.constant 0 : index
    %get3A_1 = vector.load %arg1[%get3A, %get3A_0] : memref<1000x128xf32, #tpu.memory_space<vmem>>, vector<1000x128xf32>
    %get3A_2 = arith.constant 0 : index
    %get3A_3 = arith.constant 0 : index
    %get3A_4 = vector.load %arg2[%get3A_2, %get3A_3] : memref<128x128xf32, #tpu.memory_space<vmem>>, vector<128x128xf32>
    %dot_general3A = arith.constant dense<0.000000e+00> : vector<1000x128xf32>
    %dot_general3A_5 = tpu.matmul %get3A_1, %get3A_4, %dot_general3A {dimension_numbers = #tpu.dot_dimension_numbers<[1], [0], [0], [1], [0, 0, 1, 1], [], []>, transpose_lhs_hint = false} : vector<1000x128xf32>, vector<128x128xf32>, vector<1000x128xf32> -> vector<1000x128xf32>
    %get3A_6 = arith.constant 0 : index
    %get3A_7 = arith.constant 0 : index
    %get3A_8 = vector.load %arg3[%get3A_6, %get3A_7] : memref<1000x1xf32, #tpu.memory_space<vmem>>, vector<1000x1xf32>
    %mul3A = vector.broadcast %get3A_8 : vector<1000x1xf32> to vector<1000x128xf32>
    %mul3A_9 = arith.mulf %dot_general3A_5, %mul3A : vector<1000x128xf32>
    %swap3A = arith.constant 0 : index
    %swap3A_10 = arith.constant 0 : index
    %swap3A_11 = vector.load %arg4[%swap3A, %swap3A_10] : memref<1000x128xf32, #tpu.memory_space<vmem>>, vector<1000x128xf32>
    tpu.vector_store %arg4[%swap3A, %swap3A_10], %mul3A_9 {strides = array<i32>} : memref<1000x128xf32, #tpu.memory_space<vmem>>, vector<1000x128xf32>,
    return
  }
  func.func @transform_0(%arg0: i32) -> (i32, i32) {
    %c0_i32 = arith.constant 0 : i32
    %c0_i32_0 = arith.constant 0 : i32
    return %arg0, %c0_i32 : i32, i32
  }
  func.func @transform_1(%arg0: i32) -> (i32, i32) {
    %c0_i32 = arith.constant 0 : i32
    %c0_i32_0 = arith.constant 0 : i32
    %c0_i32_1 = arith.constant 0 : i32
    return %c0_i32, %c0_i32_0 : i32, i32
  }
  func.func @transform_2(%arg0: i32) -> (i32, i32) {
    %c0_i32 = arith.constant 0 : i32
    %c0_i32_0 = arith.constant 0 : i32
    return %arg0, %c0_i32 : i32, i32
  }
  func.func @transform_3(%arg0: i32) -> (i32, i32) {
    %c0_i32 = arith.constant 0 : i32
    %c0_i32_0 = arith.constant 0 : i32
    return %arg0, %c0_i32 : i32, i32
  }
}

module attributes {stable_mosaic.version = 14 : i64} {
  func.func @_comb_body(%arg0: i32, %arg1: memref<2x1000x128xf32, #tpu.memory_space<vmem>>, %arg2: memref<1000x128xf32, #tpu.memory_space<vmem>>, %arg3: memref<1000x1xf32, #tpu.memory_space<vmem>>, %arg4: memref<1x128xf32, #tpu.memory_space<vmem>>, %arg5: memref<1x1xf32, #tpu.memory_space<vmem>>, %arg6: memref<1000x128xf32, #tpu.memory_space<vmem>>) attributes {dimension_semantics = [#tpu.dimension_semantics<arbitrary>], iteration_bounds = array<i64: 10>, scalar_prefetch = 0 : i64, scratch_operands = 0 : i64, tpu.core_type = #tpu.core_type<tc>, window_params = [{transform_indices = @transform_0, window_bounds = array<i64: 2, 1000, 128>}, {transform_indices = @transform_1, window_bounds = array<i64: 1000, 128>}, {transform_indices = @transform_2, window_bounds = array<i64: 1000, 1>}, {pipeline_mode = #tpu.pipeline_mode<synchronous>, transform_indices = @transform_3, window_bounds = array<i64: 1, 128>}, {pipeline_mode = #tpu.pipeline_mode<synchronous>, transform_indices = @transform_4, window_bounds = array<i64: 1, 1>}, {transform_indices = @transform_5, window_bounds = array<i64: 1000, 128>}]} {
    %get3A = arith.constant 0 : index
    %get3A_0 = arith.constant 0 : index
    %get3A_1 = arith.constant 0 : index
    %get3A_2 = vector.load %arg1[%get3A, %get3A_0, %get3A_1] : memref<2x1000x128xf32, #tpu.memory_space<vmem>>, vector<1x1000x128xf32>
    %get3A_3 = vector.shape_cast %get3A_2 : vector<1x1000x128xf32> to vector<1000x128xf32>
    %get3A_4 = arith.constant 1 : index
    %get3A_5 = arith.constant 0 : index
    %get3A_6 = arith.constant 0 : index
    %get3A_7 = vector.load %arg1[%get3A_4, %get3A_5, %get3A_6] : memref<2x1000x128xf32, #tpu.memory_space<vmem>>, vector<1x1000x128xf32>
    %get3A_8 = vector.shape_cast %get3A_7 : vector<1x1000x128xf32> to vector<1000x128xf32>
    %add3A = arith.addf %get3A_3, %get3A_8 : vector<1000x128xf32>
    %get3A_9 = arith.constant 0 : index
    %get3A_10 = arith.constant 0 : index
    %get3A_11 = vector.load %arg2[%get3A_9, %get3A_10] : memref<1000x128xf32, #tpu.memory_space<vmem>>, vector<1000x128xf32>
    %add3A_12 = arith.addf %add3A, %get3A_11 : vector<1000x128xf32>
    %get3A_13 = arith.constant 0 : index
    %get3A_14 = arith.constant 0 : index
    %get3A_15 = vector.load %arg3[%get3A_13, %get3A_14] : memref<1000x1xf32, #tpu.memory_space<vmem>>, vector<1000x1xf32>
    %mul3A = vector.broadcast %get3A_15 : vector<1000x1xf32> to vector<1000x128xf32>
    %mul3A_16 = arith.mulf %mul3A, %add3A_12 : vector<1000x128xf32>
    %get3A_17 = arith.constant 0 : index
    %get3A_18 = arith.constant 0 : index
    %get3A_19 = vector.load %arg4[%get3A_17, %get3A_18] : memref<1x128xf32, #tpu.memory_space<vmem>>, vector<1x128xf32>
    %add3A_20 = vector.broadcast %get3A_19 : vector<1x128xf32> to vector<1000x128xf32>
    %add3A_21 = arith.addf %mul3A_16, %add3A_20 : vector<1000x128xf32>
    %get3A_22 = arith.constant 0 : index
    %get3A_23 = arith.constant 0 : index
    %get3A_24 = vector.load %arg5[%get3A_22, %get3A_23] : memref<1x1xf32, #tpu.memory_space<vmem>>, vector<1x1xf32>
    %get3A_25 = vector.extract %get3A_24[0, 0] : f32 from vector<1x1xf32>
    %gt3A = arith.constant 0.000000e+00 : f32
    %gt3A_26 = arith.cmpf ogt, %get3A_25, %gt3A : f32
    %max3A = arith.constant 0.000000e+00 : f32
    %max3A_27 = vector.broadcast %max3A : f32 to vector<1000x128xf32>
    %max3A_28 = arith.maximumf %add3A_21, %max3A_27 : vector<1000x128xf32>
    %select_n3A = arith.select %gt3A_26, %max3A_28, %add3A_21 : vector<1000x128xf32>
    %swap3A = arith.constant 0 : index
    %swap3A_29 = arith.constant 0 : index
    %swap3A_30 = vector.load %arg6[%swap3A, %swap3A_29] : memref<1000x128xf32, #tpu.memory_space<vmem>>, vector<1000x128xf32>
    tpu.vector_store %arg6[%swap3A, %swap3A_29], %select_n3A {strides = array<i32>} : memref<1000x128xf32, #tpu.memory_space<vmem>>, vector<1000x128xf32>,
    return
  }
  func.func @transform_0(%arg0: i32) -> (i32, i32, i32) {
    %c0_i32 = arith.constant 0 : i32
    %c0_i32_0 = arith.constant 0 : i32
    %c0_i32_1 = arith.constant 0 : i32
    return %c0_i32, %arg0, %c0_i32_0 : i32, i32, i32
  }
  func.func @transform_1(%arg0: i32) -> (i32, i32) {
    %c0_i32 = arith.constant 0 : i32
    %c0_i32_0 = arith.constant 0 : i32
    return %arg0, %c0_i32 : i32, i32
  }
  func.func @transform_2(%arg0: i32) -> (i32, i32) {
    %c0_i32 = arith.constant 0 : i32
    %c0_i32_0 = arith.constant 0 : i32
    return %arg0, %c0_i32 : i32, i32
  }
  func.func @transform_3(%arg0: i32) -> (i32, i32) {
    %c0_i32 = arith.constant 0 : i32
    %c0_i32_0 = arith.constant 0 : i32
    %c0_i32_1 = arith.constant 0 : i32
    return %c0_i32, %c0_i32_0 : i32, i32
  }
  func.func @transform_4(%arg0: i32) -> (i32, i32) {
    %c0_i32 = arith.constant 0 : i32
    %c0_i32_0 = arith.constant 0 : i32
    %c0_i32_1 = arith.constant 0 : i32
    return %c0_i32, %c0_i32_0 : i32, i32
  }
  func.func @transform_5(%arg0: i32) -> (i32, i32) {
    %c0_i32 = arith.constant 0 : i32
    %c0_i32_0 = arith.constant 0 : i32
    return %arg0, %c0_i32 : i32, i32
  }
}

</mosaic_0001>

<sc_bundles>
// kernel: closed_call.12.cloned.1.call-start
scs
__scs_entry_jumppad:
0x0: {  	(pc) =	sbr.rel $0x88, $3  }
0x1: {  	(tag) =	ssettag $0x0;
	lr =	simm.s32 $0x1  }
0x2: {  	[smem:$0x3F9B] =	sst lr;
	_ =	strace $0xD0000000  }
0x3: {  	_ = 	snop  }
0x4: {  	_ = 	snop  }
0x5: {  	_ = 	snop  }
0x6: {  	_ = 	snop  }
0x7: {  	_ = 	snop  }
__scs_overlays_trampoline_lowered:
0x8: {  	[smem:$0x3FAA] =	sst s0  }
0x9: {  	[smem:$0x3FAB] =	sst s1  }
0xa: {  	[smem:$0x3FAC] =	sst s2  }
0xb: {  	[smem:$0x3FAD] =	sst s3  }
0xc: {  	[smem:$0x3FAE] =	sst s4  }
0xd: {  	[smem:$0x3FAF] =	sst s5  }
0xe: {  	[smem:$0x3FB0] =	sst s6  }
0xf: {  	[smem:$0x3FB1] =	sst s7  }
0x10: {  	[smem:$0x3FB2] =	sst s8  }
0x11: {  	[smem:$0x3FB3] =	sst s9;
	s0 =	simm.s32 @!p0 $0x0  }
0x12: {  	s1 =	sld [smem:$0x3F99];
	s0 =	simm.s32 @p0 $0x1  }
0x13: {  	[smem:$0x3FB4] =	sst s0;
	s0 =	simm.s32 @!p1 $0x0  }
0x14: {  	s2 =	sld [smem:$0x3F98];
	s0 =	simm.s32 @p1 $0x1  }
0x15: {  	[smem:$0x3FB5] =	sst s0;
	s0 =	simm.s32 @!p2 $0x0  }
0x16: {  	s3 =	sld [smem:$0x3FDB];
	s0 =	simm.s32 @p2 $0x1  }
0x17: {  	s4 =	simm.s32 $0x1BF5;
	[smem:$0x3FB7] =	sst s0  }
0x18: {  	s0 =	sld [smem:$0x3F9A];
	_ =	swait.ge [sflag:s4], $0x0  }
0x19: {  	s7 =	sld [smem:$0x3F9B]  }
0x1a: {  	s8 =	sadd.s32 $0xFFFFE003, lr  }
0x1b: {  	s9 =	sadd.s32 $0xFFFFFEF7, lr;
	s5 =	simm.s32 $0xFFFFFFFF;
	p2 =	slt.u32 s8, $0xFFFFF086  }
0x1c: {  	p1 =	slt.u32 s9, $0xF7A;
	s5 =	simm.s32 @!p2 $0x0  }
0x1d: {  	s5 =	simm.s32 @p1 $0x1;
	p0 =	seq.s32 s7, s2  }
0x1e: {  	s7 =	smul.u32 @!p0 $0xF7A, s2;
	p2 =	seq.s32 @!p0 s5, $0x0  }
0x1f: {  	s9 =	smul.u32 $0xF7A, s1;
	s8 =	simm.s32 @!p0 $0x1BF5;
	p2 =	por !p2, p0  }
0x20: {  	[sflag:s8] =	ssyncset.s32 @!p0 $0xFFFFF086;
	s6 =	sadd.s32 @!p0 s3, s7;
	s7 =	simm.s32 @!p0 $0x108  }
0x21: {  	s3 =	sadd.s32 s3, s9;
	s6 =	sadd.s32 @!p0 $0x88, s6;
	s7 =	simm.s32 @p2 $0x1082  }
0x22: {  	[simem:s7], [sflag:s8] =	dma.local @!p0 [hbm:s6], $0xF7A  }
0x23: {  	s9 =	sor.u32 $0xD0000000, s2;
	s6 =	simm.s32 $0x108;
	_ =	swait.ge @!p0 [sflag:s8], $0x0  }
0x24: {  	s3 =	sadd.s32 $0x88, s3;
	s6 =	simm.s32 @!p1 $0x1082;
	[sflag:s4] =	ssyncset.s32 $0xFFFFF086  }
0x25: {  	[simem:s6], [sflag:s4] =	dma.local [hbm:s3], $0xF7A  }
0x26: {  	[smem:$0x3F9B] =	sst s1;
	(tag) =	ssettag s2;
	_ =	strace s9  }
0x27: {  	s1 =	sld [smem:$0x3FAB]  }
0x28: {  	s2 =	sld [smem:$0x3FAC]  }
0x29: {  	s4 =	sld [smem:$0x3FAE]  }
0x2a: {  	p0 =	seq.s32 s5, $0x0;
	s5 =	sld [smem:$0x3FAF]  }
0x2b: {  	s6 =	sld [smem:$0x3FB0]  }
0x2c: {  	s7 =	sld [smem:$0x3FB1]  }
0x2d: {  	s3 =	simm.s32 $0x108;
	s8 =	sld [smem:$0x3FB2]  }
0x2e: {  	s3 =	simm.s32 @!p0 $0x1082;
	s9 =	sld [smem:$0x3FB3]  }
0x2f: {  	lr =	sadd.s32 s0, s3;
	s0 =	sld [smem:$0x3FAA]  }
0x30: {  	s3 =	sld [smem:$0x3FAD]  }
0x31: {  	[smem:$0x3FB6] =	sst s10  }
0x32: {  	s10 =	sld [smem:$0x3FB4];
	_ =	sdelay $0x3  }
0x33: {  	p0 =	seq.s32 s10, $0x1;
	s10 =	sld [smem:$0x3FB6];
	_ =	sdelay $0x3  }
0x34: {  	[smem:$0x3FB6] =	sst s10  }
0x35: {  	s10 =	sld [smem:$0x3FB5];
	_ =	sdelay $0x3  }
0x36: {  	p1 =	seq.s32 s10, $0x1;
	s10 =	sld [smem:$0x3FB6];
	_ =	sdelay $0x3  }
0x37: {  	[smem:$0x3FB6] =	sst s10  }
0x38: {  	s10 =	sld [smem:$0x3FB7]  }
0x39: {  	_ = 	snop;
	(pc) =	sbr.ind lr, $3  }
0x3a: {  	_ = 	snop  }
0x3b: {  	_ = 	snop  }
0x3c: {  	p2 =	seq.s32 s10, $0x1;
	s10 =	sld [smem:$0x3FB6]  }
0x3d: {  	_ =	shalt  }
0x3e: {  	_ =	shalt  }
0x3f: {  	_ =	shalt  }
0x40: {  	_ =	shalt  }
0x41: {  	_ =	shalt  }
0x42: {  	_ =	shalt  }
0x43: {  	_ =	shalt  }
0x44: {  	_ =	shalt  }
0x45: {  	_ =	shalt  }
0x46: {  	_ =	shalt  }
0x47: {  	_ =	shalt  }
0x48: {  	_ =	shalt  }
0x49: {  	_ =	shalt  }
0x4a: {  	_ =	shalt  }
0x4b: {  	_ =	shalt  }
0x4c: {  	_ =	shalt  }
0x4d: {  	_ =	shalt  }
0x4e: {  	_ =	shalt  }
0x4f: {  	_ =	shalt  }
0x50: {  	_ =	shalt  }
0x51: {  	_ =	shalt  }
0x52: {  	_ =	shalt  }
0x53: {  	_ =	shalt  }
0x54: {  	_ =	shalt  }
0x55: {  	_ =	shalt  }
0x56: {  	_ =	shalt  }
0x57: {  	_ =	shalt  }
0x58: {  	_ =	shalt  }
0x59: {  	_ =	shalt  }
0x5a: {  	_ =	shalt  }
0x5b: {  	_ =	shalt  }
0x5c: {  	_ =	shalt  }
0x5d: {  	_ =	shalt  }
0x5e: {  	_ =	shalt  }
0x5f: {  	_ =	shalt  }
0x60: {  	_ =	shalt  }
0x61: {  	_ =	shalt  }
0x62: {  	_ =	shalt  }
0x63: {  	_ =	shalt  }
0x64: {  	_ =	shalt  }
0x65: {  	_ =	shalt  }
0x66: {  	_ =	shalt  }
0x67: {  	_ =	shalt  }
0x68: {  	_ =	shalt  }
0x69: {  	_ =	shalt  }
0x6a: {  	_ =	shalt  }
0x6b: {  	_ =	shalt  }
0x6c: {  	_ =	shalt  }
0x6d: {  	_ =	shalt  }
0x6e: {  	_ =	shalt  }
0x6f: {  	_ =	shalt  }
0x70: {  	_ =	shalt  }
0x71: {  	_ =	shalt  }
0x72: {  	_ =	shalt  }
0x73: {  	_ =	shalt  }
0x74: {  	_ =	shalt  }
0x75: {  	_ =	shalt  }
0x76: {  	_ =	shalt  }
0x77: {  	_ =	shalt  }
0x78: {  	_ =	shalt  }
0x79: {  	_ =	shalt  }
0x7a: {  	_ =	shalt  }
0x7b: {  	_ =	shalt  }
0x7c: {  	_ =	shalt  }
0x7d: {  	_ =	shalt  }
0x7e: {  	_ =	shalt  }
0x7f: {  	_ =	shalt  }
0x80: {  	_ =	shalt  }
0x81: {  	_ =	shalt  }
0x82: {  	_ =	shalt  }
0x83: {  	_ =	shalt  }
0x84: {  	_ =	shalt  }
0x85: {  	_ =	shalt  }
0x86: {  	_ =	shalt  }
0x87: {  	_ =	shalt  }
.Lfunc_end0:
.L_simem_size_0:
called_computation_lowered:
.L_overlay_start_0:
0x88: {  	s2 =	sld [smem:$0x3FD9]  }
0x89: {  	s3 =	sld [smem:$0x3FFE];
	_ =	sdelay $0x1  }
0x8a: {  	s1 =	srdreg.scid  }
0x8b: {  	s0 =	sand.u32 $0x1, s1  }
0x8c: {  	s17 =	sshll.u32 s0, $0xA;
	s2 =	sadd.s32 s3, s2  }
0x8d: {  	s2 =	sadd.s32 s2, s17  }
0x8e: {  	[smem:$0x3FC2] =	sst s2  }
0x8f: {  	_ = 	snop  }
0x90: {  	s2 =	sld [smem:$0x3FD0];
	(tm) =	ssettm $0x1  }
0x91: {  	s18 =	sld [smem:$0x3FFB];
	_ =	sdelay $0x3  }
0x92: {  	_ =	strace s18  }
0x93: {  	s3 =	sld [smem:$0x3FFC];
	_ =	sdelay $0x3  }
0x94: {  	_ =	strace s3  }
0x95: {  	s3 =	sld [smem:$0x3FFD];
	_ =	sdelay $0x3  }
0x96: {  	_ =	strace s3  }
0x97: {  	_ =	strace $0x8FFFFFFF  }
0x98: {  	s19 =	sld [smem:$0x3FDB];
	_ =	sdelay $0x1  }
0x99: {  	s4 =	simm.s32 $_scs_section_size  }
0x9a: {  	s5 =	simm.s32 $_size__tile_overlayer_lowered;
	s6 =	simm.s32 $_tile_overlayer_lowered  }
0x9b: {  	s22 =	simm.s32 $0x1BFF;
	s21 =	sshll.u32 s6, $0x1;
	s3 =	sadd.s32 s4, s19  }
0x9c: {  	s7 =	simm.s32 $0x0;
	s20 =	sshll.u32 s5, $0x1;
	s5 =	sadd.s32 s21, s3  }
0x9d: {  	[timem:s7], [sflag:s22] =	dma.local [hbm:s5], s20  }
0x9e: {  	_ =	swait.ge [sflag:s22], s20  }
0x9f: {  	s4 =	ssub.s32 $0x0, s20;
	[sflag:s22] =	ssyncset.done $0x0  }
0xa0: {  	[sflag:s22] =	ssyncadd.s32 s4;
	_ =	sdelay $0x1  }
0xa1: {  	s23 =	simm.s32 $0x1B8B  }
0xa2: {  	_ =	swait.ge [sflag:s23], $0x1  }
0xa3: {  	[sflag:s23] =	ssyncset.done $0x0  }
0xa4: {  	s25 =	simm.s32 $0x1B8E;
	s24 =	sld [smem:$0x3FFE];
	[sflag:s23] =	ssyncadd.s32 $0xFFFFFFFF  }
0xa5: {  	s26 =	simm.s32 $execute0_lowered;
	[smem:$0x3FD2] =	sst s25  }
0xa6: {  	s5 =	sshll.u32 s26, $0x1;
	_ =	strace $0x80000049;
	[dreg:$0x1] =	wrdreg $0xFFFFFFFF  }
0xa7: {  	s28 =	simm.s32 $_size_execute0_lowered;
	s3 =	sadd.s32 s3, s5;
	[dreg:$0x0] =	wrdreg $0x0  }
0xa8: {  	s5 =	sshll.u32 s28, $0x1;
	[dreg:$0x2] =	wrdreg s3  }
0xa9: {  	[dreg:$0x3] =	wrdreg s5  }
0xaa: {  	[dreg:$0x4] =	wrdreg $0xC0  }
0xab: {  	_ =	task [dreg:s7], $0x5FFFF  }
0xac: {  	[dreg:$0x1] =	wrdreg $0xFFFFFFFF  }
0xad: {  	[dreg:$0x0] =	wrdreg $0x60  }
0xae: {  	[dreg:$0x2] =	wrdreg s2  }
0xaf: {  	[dreg:$0x3] =	wrdreg s24  }
0xb0: {  	[dreg:$0x4] =	wrdreg $0xB8000  }
0xb1: {  	[dreg:$0x5] =	wrdreg $0x9  }
0xb2: {  	_ =	task.clear_ibuf [dreg:s7], $0x6FFFF;
	_ =	strace $0x90000049  }
0xb3: {  	s29 =	simm.s32 $0x9;
	_ =	strace $0x8000004B  }
0xb4: {  	_ =	swait.ge [sflag:s29], $0x1  }
0xb5: {  	[sflag:s29] =	ssyncadd.s32 $0xFFFFFFFF  }
0xb6: {  	_ =	strace $0x9000004B  }
0xb7: {  	_ =	sfence  }
0xb8: {  	s30 =	sld [smem:$0x0];
	_ =	sdelay $0x2  }
0xb9: {  	s31 =	sshll.u32 s1, $0xD;
	s1 =	sshrl.u32 s1, $0x2  }
0xba: {  	s3 =	sand.u32 $0x4000, s31;
	s1 =	sadd.s32 s1, s30  }
0xbb: {  	s0 =	sor.u32 s3, s0;
	s1 =	sshll.u32 s1, $0x11  }
0xbc: {  	s0 =	sor.u32 s1, s0  }
0xbd: {  	s0 =	sadd.s32 $0x8F2B, s0  }
0xbe: {  	[sflag:s0] =	ssyncadd.remote.s32 $0x1  }
0xbf: {  	_ =	sfence.sel $0xFFFF  }
0xc0: {  	[dreg:$0x0] =	wrdreg $0xFFFFFFFF;
	(pc) =	sbr.abs _section_cstart, $3  }
0xc1: {  	[dreg:$0x1] =	wrdreg $0xFFFFFFFF  }
0xc2: {  	_ =	task.clear_ibuf [dreg:s7], $0x2FFFF;
	_ =	strace $0x9FFFFFFF  }
0xc3: {  	(tm) =	ssettm $0x7FFFFFFF  }
tec
execute0_lowered:
.L_overlay_start_1:
0x0: {  	(tag) =	ssettag $0x1  }
0x1: {  	s2 =	rddreg [dreg:$0x0]  }
0x2: {  	s0 =	rddreg [dreg:$0x1]  }
0x3: {  	s3 =	rddreg [dreg:$0x2]  }
0x4: {  	s15 =	stileid.u32;
	s1 =	srdreg.scid;
	s4 =	simm.s32 $0x0  }
0x5: {  	s28 =	simm.s32 $0x70;
	s31 =	simm.s32 $0x0;
	s10 =	smul.u32 $0x2780, s15  }
0x6: {  	s1 =	sand.u32 $0x1, s1;
	[smem:$0x7FF] =	sst s4;
	s5 =	sadd.s32 $0x2800, s0  }
0x7: {  	s6 =	sadd.s32 $0x11800, s0;
	s9 =	sshll.u32 s15, $0x1;
	s13 =	smul.u32 $0x4F000, s15  }
0x8: {  	s26 =	sshll.u32 s15, $0x6;
	s7 =	smul.u32 $0x27800, s1;
	_ =	strace $0x8000004A  }
0x9: {  	s12 =	ssub.s32 $0x2, s1;
	p0 =	seq.s32 s1, $0x0;
	s1 =	smul.u32 $0x1C, s15  }
0xa: {  	s9 =	sor.u32 $0x1C0, s9;
	s11 =	sadd.s32 s10, s0;
	s14 =	sshrl.u32 s12, $0x1  }
0xb: {  	s24 =	sshrl.u32 s13, $0x2;
	s13 =	sor.u32 $0x1C08, s26;
	s0 =	sadd.s32 s7, s0  }
0xc: {  	s7 =	simm.s32 $0x1C;
	s14 =	ssub.s32 s12, s14;
	s9 =	smov.u32 @p0 s1  }
0xd: {  	s1 =	sadd.s32 s24, s3;
	s25 =	sadd.s32 $0x20800, s11;
	s7 =	simm.s32 @!p0 $0x2  }
0xe: {  	[dreg:$0x4] =	wrdreg s1;
	s17 =	sshll.u32 s9, $0x7;
	s8 =	smul.u32 $0x6, s7  }
0xf: {  	[dreg:$0x5] =	wrdreg s25;
	s0 =	sadd.s32 $0x51A00, s0;
	s22 =	sadd.s32 s5, s17  }
0x10: {  	s19 =	sor.u32 $0x80, s17;
	s23 =	sadd.s32 s6, s17;
	s12 =	sadd.s32 $0xFFFFFFFD, s8  }
0x11: {  	s0 =	sadd.s32 s10, s0;
	s30 =	sadd.s32 $0xFFFFFFFE, s8;
	s29 =	sand.u32 $0xFD, s12  }
0x12: {  	s18 =	sadd.s32 $0xFFFFFFFF, s8;
	s16 =	sand.u32 $0xFE, s30;
	s11 =	smul.u32 $0xAB, s29  }
0x13: {  	[dreg:$0x6] =	wrdreg s22;
	s21 =	sand.u32 $0xFF, s18;
	s20 =	smul.u32 $0xAB, s16  }
0x14: {  	[dreg:$0x7] =	wrdreg s23;
	s16 =	smul.u32 $0xAB, s21;
	s11 =	sshrl.u32 s11, $0x9  }
0x15: {  	s24 =	sadd.s32 s5, s19;
	s1 =	sshrl.u32 s20, $0x9;
	s11 =	smul.u32 $0x3, s11  }
0x16: {  	[dreg:$0xb] =	wrdreg s0;
	s20 =	sshrl.u32 s16, $0x9;
	s1 =	smul.u32 $0x3, s1  }
0x17: {  	s25 =	sadd.s32 s6, s19;
	[dreg:$0x8] =	wrdreg s24;
	s20 =	smul.u32 $0x3, s20  }
.Ltmp0:
0x18: {  	s22 =	simm.s32 $0x8;
	[dreg:$0x9] =	wrdreg s25;
	(pc) =	sbr.rel .LBB2_1-.Ltmp0, $4  }
0x19: {  	s11 =	ssub.s32 s12, s11;
	s1 =	ssub.s32 s30, s1;
	s26 =	ssub.s32 s18, s20  }
0x1a: {  	s30 =	smax.u32 s14, $0x1;
	s11 =	sor.u32 $0x4, s11;
	s1 =	sor.u32 $0x4, s1  }
0x1b: {  	s29 =	sor.u32 $0x4, s26;
	[dreg:$0xa] =	wrdreg s30;
	s26 =	simm.s32 $0x7  }
0x1c: {  	s18 =	sand.u32 $0xFF, s11;
	s19 =	sand.u32 $0xFF, s1;
	s20 =	sand.u32 $0xFF, s29  }
.LBB2_5:
0x1d: {  	_ =	swait.ge [sflag:s18], $0x3800  }
0x1e: {  	[sflag:s18] =	ssyncset.done $0x0  }
0x1f: {  	[sflag:s18] =	ssyncadd.s32 $0xFFFFC800  }
0x20: {  	_ =	swait.ge [sflag:s19], $0x3800  }
0x21: {  	[sflag:s19] =	ssyncset.done $0x0  }
0x22: {  	[sflag:s19] =	ssyncadd.s32 $0xFFFFC800  }
0x23: {  	_ =	swait.ge [sflag:s20], $0x3800  }
0x24: {  	[sflag:s20] =	ssyncset.done $0x0  }
0x25: {  	[sflag:s20] =	ssyncadd.s32 $0xFFFFC800  }
0x26: {  	[bflag:$0x0] =	sbarrier.arrive $0xFFFF  }
0x27: {  	s1 =	rddreg [dreg:$0xb]  }
0x28: {  	[hbm:s1], [sflag:s4] =	dma.local [spmem:s0], $0x2780  }
0x29: {  	_ =	swait.ge [sflag:s22], $0x2780  }
0x2a: {  	s31 =	sadd.s32 $0x1, s31;
	s30 =	rddreg [dreg:$0xa]  }
0x2b: {  	p0 =	sne.s32 s31, s30  }
.Ltmp1:
0x2c: {  	_ = 	snop;
	(pc) =	sbr.rel @!p0 .LBB2_6-.Ltmp1, $3  }
0x2d: {  	_ =	sdelay $0x1  }
0x2e: {  	[sflag:s22] =	ssyncset.done $0x0  }
0x2f: {  	s13 =	smov.u32 s4;
	[sflag:s22] =	ssyncadd.s32 $0xFFFFD880  }
.LBB2_1:
0x30: {  	s0 =	rddreg [dreg:$0x4]  }
0x31: {  	s1 =	rddreg [dreg:$0x5];
	s0 =	sshrl.u32 s0, $0x3  }
0x32: {  	[spmem:s0], [sflag:s13] =	dma.local [hbm:s1], $0x2780  }
0x33: {  	_ =	swait.ge [sflag:s22], $0x2780  }
0x34: {  	[sflag:s22] =	ssyncset.done $0x0  }
0x35: {  	[sflag:s22] =	ssyncadd.s32 $0xFFFFD880  }
0x36: {  	[bflag:$0x0] =	sbarrier.arrive $0xFFFF  }
0x37: {  	s10 =	simm.s32 $0x0;
	s15 =	rddreg [dreg:$0x6]  }
0x38: {  	[tilespmem:s10], [sflag:$0x7] =	stream.linear.gather [hbm4b:s15+s10], $0x300, $0x38;
	[tilespmem:$0x1F400] =	vst v63  }
0x39: {  	s1 =	simm.s32 $0x800;
	s11 =	rddreg [dreg:$0x7]  }
0x3a: {  	[tilespmem:s1], [sflag:$0x7] =	stream.linear.gather [hbm4b:s11+s10], $0x300, $0x38;
	[tilespmem:$0x1F400] =	vst v63  }
0x3b: {  	s17 =	simm.s32 $0x400;
	s16 =	rddreg [dreg:$0x8]  }
0x3c: {  	[tilespmem:s17], [sflag:$0x7] =	stream.linear.gather [hbm4b:s16+s10], $0x300, $0x38;
	[tilespmem:$0x1F400] =	vst v63  }
0x3d: {  	s23 =	simm.s32 $0xC00;
	s21 =	rddreg [dreg:$0x9]  }
0x3e: {  	[tilespmem:s23], [sflag:$0x7] =	stream.linear.gather [hbm4b:s21+s10], $0x300, $0x38;
	[tilespmem:$0x1F400] =	vst v63  }
0x3f: {  	_ =	swait.ge [sflag:s26], $0x300  }
0x40: {  	[sflag:s26] =	ssyncset.done $0x0  }
0x41: {  	[sflag:s26] =	ssyncadd.s32 $0xFFFFFD00  }
0x42: {  	_ =	swait.ge [sflag:s26], $0x300  }
0x43: {  	[sflag:s26] =	ssyncset.done $0x0  }
0x44: {  	[sflag:s26] =	ssyncadd.s32 $0xFFFFFD00  }
0x45: {  	_ =	swait.ge [sflag:s26], $0x300  }
0x46: {  	[sflag:s26] =	ssyncset.done $0x0  }
0x47: {  	[sflag:s26] =	ssyncadd.s32 $0xFFFFFD00  }
0x48: {  	s4 =	smov.u32 s13;
	_ =	swait.ge [sflag:s26], $0x300  }
0x49: {  	s24 =	simm.s32 $0x80;
	s25 =	simm.s32 $0x4800;
	[sflag:s26] =	ssyncset.done $0x0  }
.Ltmp2:
0x4a: {  	s23 =	simm.s32 $0x1000;
	[sflag:s26] =	ssyncadd.s32 $0xFFFFFD00;
	(pc) =	sbr.rel .LBB2_2-.Ltmp2, $4  }
0x4b: {  	[tilespmem:s23], [sflag:$0x1] =	stream.indirect.gather [hbm4b:s2+s28], $0x80, s10, s28, $0xb8;
	[tilespmem:$0x1F400] =	vst v63  }
0x4c: {  	s29 =	simm.s32 $0xFFFFFFFF;
	s30 =	simm.s32 $0x1;
	s14 =	simm.s32 $0x0  }
0x4d: {  	[tilespmem:s25], [sflag:$0x2] =	stream.indirect.gather [hbm4b:s2+s28], $0x80, s24, s28, $0xb8;
	[tilespmem:$0x1F400] =	vst v63  }
0x4e: {  	s11 =	simm.s32 $0x2;
	s10 =	simm.s32 $0x4;
	s25 =	simm.s32 $0x3  }
.LBB2_4:
0x4f: {  	s14 =	sadd.s32 $0x1, s14  }
0x50: {  	p0 =	sne.s32 s8, s14  }
.Ltmp3:
0x51: {  	_ = 	snop;
	(pc) =	sbr.rel @!p0 .LBB2_5-.Ltmp3, $4  }
0x52: {  	_ = 	snop  }
0x53: {  	s25 =	sadd.s32 $0x1, s25  }
0x54: {  	s29 =	sadd.s32 $0x1, s29;
	s11 =	sadd.s32 $0x1, s11;
	s30 =	sadd.s32 $0x1, s30  }
0x55: {  	s10 =	sadd.s32 $0x1, s10;
	s23 =	sadd.s32 $0x3800, s23;
	s1 =	sadd.s32 $0x80, s1  }
.LBB2_2:
0x56: {  	s16 =	smulhi.u32 $0xAAAAAAAB, s14;
	_ =	sdelay $0x1  }
0x57: {  	s17 =	sshrl.u32 s16, $0x1  }
0x58: {  	s15 =	sshrl.u32 s16, $0x2;
	s21 =	smul.u32 $0xFFFFFFF4, s17  }
0x59: {  	p0 =	sgt.s32 s14, s12;
	s24 =	smul.u32 $0xC00, s15  }
0x5a: {  	s16 =	sshll.u32 s16, $0xA;
	s17 =	smul.u32 $0xFFFD6000, s17;
	s21 =	sshra.s32 s21, $0x2  }
.Ltmp4:
0x5b: {  	s16 =	sand.u32 $0x1000, s16;
	s13 =	sadd.s32 s21, s30;
	(pc) =	sbr.rel @p0 .LBB2_4-.Ltmp4, $4  }
0x5c: {  	s16 =	ssub.s32 s16, s24;
	s17 =	sshra.s32 s17, $0x2;
	_ =	swait.ge [sflag:s13], $0x3800  }
0x5d: {  	s21 =	sadd.s32 s21, s10;
	s16 =	sshra.s32 s16, $0x2;
	[sflag:s13] =	ssyncset.done $0x0  }
0x5e: {  	s17 =	sadd.s32 s17, s23;
	s16 =	sadd.s32 s16, s1;
	[sflag:s13] =	ssyncadd.s32 $0xFFFFC800  }
0x5f: {  	[spmem:s3] =	stream.indirect.scatter.add.f32 [tilespmem:s17], [sflag:s21], $0x80, s16, s28, $0xb8;
	[tilespmem:$0x1F400] =	vst v63  }
0x60: {  	s13 =	smul.u32 $0x6, s15  }
0x61: {  	p0 =	seq.s32 s14, $0x0  }
0x62: {  	p1 =	sne.s32 @!p0 s13, s14  }
0x63: {  	p2 =	por p1, p0  }
0x64: {  	s21 =	smulhi.u32 $0xAAAAAAAB, s29;
	p3 =	slt.u32 @!p2 s14, $0x6  }
0x65: {  	p4 =	por @!p0 p3, p1  }
0x66: {  	s15 =	sadd.s32 @!p0 $0x1, s15;
	s13 =	sshrl.u32 s21, $0x1;
	p4 =	por p4, p0  }
0x67: {  	s13 =	smul.u32 $0xFFFFFFF4, s13;
	p4 =	sge.u32 @!p4 s15, s7  }
0x68: {  	p2 =	por @!p2 p4, p3  }
0x69: {  	s13 =	sshra.s32 s13, $0x2;
	p1 =	por @!p0 p2, p1  }
0x6a: {  	s16 =	smulhi.u32 $0xAAAAAAAB, s11;
	s13 =	sadd.s32 s13, s25;
	p1 =	por p1, p0  }
0x6b: {  	_ =	swait.ge @!p0 [sflag:s13], $0x3800;
	s17 =	sadd.s32 @!p1 s9, s15  }
0x6c: {  	s16 =	sshrl.u32 s16, $0x2;
	[sflag:s13] =	ssyncset.done @!p0 $0x0;
	s17 =	smin.u32 @!p1 s17, $0x1DF  }
0x6d: {  	[sflag:s13] =	ssyncadd.s32 @!p0 $0xFFFFC800;
	s13 =	sshll.u32 @!p1 s15, $0xA;
	s15 =	sshll.u32 @!p1 s17, $0x7  }
0x6e: {  	s21 =	simm.s32 @!p1 $0x0;
	s13 =	sand.u32 @!p1 $0x400, s13;
	s17 =	sadd.s32 @!p1 s5, s15  }
0x6f: {  	[tilespmem:s13], [sflag:$0x7] =	stream.linear.gather @!p1 [hbm4b:s17+s21], $0x300, $0x38;
	[tilespmem:$0x1F400] =	vst v63  }
0x70: {  	s16 =	smul.u32 $0x6, s16;
	s15 =	sadd.s32 @!p1 s6, s15;
	s13 =	sor.u32 @!p1 $0x800, s13  }
0x71: {  	[tilespmem:s13], [sflag:$0x7] =	stream.linear.gather @!p1 [hbm4b:s15+s21], $0x300, $0x38;
	[tilespmem:$0x1F400] =	vst v63  }
0x72: {  	s13 =	ssub.s32 $0x2, s16;
	p1 =	slt.u32 @!p0 s14, $0xA;
	s15 =	sadd.s32 @!p0 $0x2, s14  }
0x73: {  	s13 =	sadd.s32 @!p0 s13, s14;
	p2 =	por p1, p0;
	s15 =	simm.s32 @p0 $0x2  }
0x74: {  	p3 =	sne.s32 @!p2 s13, $0x0;
	s16 =	smulhi.u32 $0xAAAAAAAB, s15  }
0x75: {  	s24 =	smov.u32 s13;
	p2 =	por @!p0 p3, p1  }
0x76: {  	p3 =	por @!p0 !p3, p1;
	p1 =	por !p1, p0;
	s21 =	sshrl.u32 s16, $0x1  }
0x77: {  	p2 =	por p2, p0;
	p3 =	por !p3, p0;
	s21 =	smul.u32 $0x3, s21  }
0x78: {  	s16 =	sshll.u32 s16, $0x8;
	s17 =	simm.s32 @!p2 $0x7;
	s24 =	simm.s32 @!p3 $0x0  }
0x79: {  	s16 =	sand.u32 $0x400, s16;
	_ =	swait.ge @!p2 [sflag:s17], $0x300;
	s15 =	ssub.s32 s15, s21  }
0x7a: {  	s13 =	smov.u32 @p1 s24;
	[sflag:s17] =	ssyncset.done @!p2 $0x0;
	s21 =	smul.u32 $0xE000, s15  }
.Ltmp5:
0x7b: {  	s13 =	simm.s32 @p0 $0x2;
	[sflag:s17] =	ssyncadd.s32 @!p2 $0xFFFFFD00;
	(pc) =	sbr.rel .LBB2_4-.Ltmp5, $4  }
0x7c: {  	s13 =	sshll.u32 s13, $0x7;
	s15 =	sadd.s32 $0x1, s15;
	_ =	swait.ge @!p2 [sflag:s17], $0x300  }
0x7d: {  	s13 =	sand.u32 $0x3FFFFF80, s13;
	[sflag:s17] =	ssyncset.done @!p2 $0x0;
	s24 =	sshrl.u32 s21, $0x2  }
0x7e: {  	s13 =	sadd.s32 s13, s16;
	[sflag:s17] =	ssyncadd.s32 @!p2 $0xFFFFFD00;
	s17 =	sadd.s32 $0x1000, s24  }
0x7f: {  	[tilespmem:s17], [sflag:s15] =	stream.indirect.gather [hbm4b:s2+s28], $0x80, s13, s28, $0xb8;
	[tilespmem:$0x1F400] =	vst v63  }
.LBB2_6:
0x80: {  	_ =	sfence.sel $0x180000  }
0x81: {  	[bflag:$0x0] =	sbarrier.arrive $0xFFFF  }
0x82: {  	_ =	strace $0x9000004A  }
0x83: {  	s0 =	stileid.u32;
	[bflag:$0x2] =	sbarrier.arrive $0xFFFF  }
0x84: {  	p0 =	sne.s32 s0, $0x0;
	s0 =	rddreg [dreg:$0x3]  }
0x85: {  	s0 =	sadd.s32 @!p0 $0x100000, s0  }
0x86: {  	[sflag:s0] =	ssyncadd.tile.s32 @!p0 $0x1;
	_ =	shalt  }
.Lfunc_end2:
_tile_overlayer_lowered:
.L_overlay_start_2:
0x87: {  	(tag) =	ssettag $0x2  }
0x88: {  	s0 =	rddreg [dreg:$0x0];
	s2 =	stileid.u32  }
0x89: {  	s1 =	rddreg [dreg:$0x1];
	p0 =	sne.s32 s2, $0x0  }
0x8a: {  	s3 =	rddreg [dreg:$0x2];
	[bflag:$0x3] =	sbarrier.arrive $0xFFFF;
	s2 =	simm.s32 @!p0 $0x1C08  }
0x8b: {  	[timem:s3], [sflag:s2] =	dma.local @!p0 [hbm:s0], s1  }
0x8c: {  	s0 =	simm.s32 @!p0 $0x8  }
0x8d: {  	_ =	swait.ge @!p0 [sflag:s0], s1  }
0x8e: {  	s1 =	ssub.s32 @!p0 $0x0, s1;
	[sflag:s0] =	ssyncset.done @!p0 $0x0  }
0x8f: {  	[sflag:s0] =	ssyncadd.s32 @!p0 s1  }
0x90: {  	[bflag:$0x3] =	sbarrier.arrive $0xFFFF  }
0x91: {  	_ =	shalt  }

// kernel: kernel.4.cloned.1.call-start
scs
__scs_entry_jumppad:
0x0: {  	(pc) =	sbr.rel $0x88, $3  }
0x1: {  	(tag) =	ssettag $0x0;
	lr =	simm.s32 $0x1  }
0x2: {  	[smem:$0x3F9B] =	sst lr;
	_ =	strace $0xD0000000  }
0x3: {  	_ = 	snop  }
0x4: {  	_ = 	snop  }
0x5: {  	_ = 	snop  }
0x6: {  	_ = 	snop  }
0x7: {  	_ = 	snop  }
__scs_overlays_trampoline_lowered:
0x8: {  	[smem:$0x3FAA] =	sst s0  }
0x9: {  	[smem:$0x3FAB] =	sst s1  }
0xa: {  	[smem:$0x3FAC] =	sst s2  }
0xb: {  	[smem:$0x3FAD] =	sst s3  }
0xc: {  	[smem:$0x3FAE] =	sst s4  }
0xd: {  	[smem:$0x3FAF] =	sst s5  }
0xe: {  	[smem:$0x3FB0] =	sst s6  }
0xf: {  	[smem:$0x3FB1] =	sst s7  }
0x10: {  	[smem:$0x3FB2] =	sst s8  }
0x11: {  	[smem:$0x3FB3] =	sst s9;
	s0 =	simm.s32 @!p0 $0x0  }
0x12: {  	s1 =	sld [smem:$0x3F99];
	s0 =	simm.s32 @p0 $0x1  }
0x13: {  	[smem:$0x3FB4] =	sst s0;
	s0 =	simm.s32 @!p1 $0x0  }
0x14: {  	s2 =	sld [smem:$0x3F98];
	s0 =	simm.s32 @p1 $0x1  }
0x15: {  	[smem:$0x3FB5] =	sst s0;
	s0 =	simm.s32 @!p2 $0x0  }
0x16: {  	s3 =	sld [smem:$0x3FDB];
	s0 =	simm.s32 @p2 $0x1  }
0x17: {  	s4 =	simm.s32 $0x1BF5;
	[smem:$0x3FB7] =	sst s0  }
0x18: {  	s0 =	sld [smem:$0x3F9A];
	_ =	swait.ge [sflag:s4], $0x0  }
0x19: {  	s7 =	sld [smem:$0x3F9B]  }
0x1a: {  	s8 =	sadd.s32 $0xFFFFE003, lr  }
0x1b: {  	s9 =	sadd.s32 $0xFFFFFEF7, lr;
	s5 =	simm.s32 $0xFFFFFFFF;
	p2 =	slt.u32 s8, $0xFFFFF086  }
0x1c: {  	p1 =	slt.u32 s9, $0xF7A;
	s5 =	simm.s32 @!p2 $0x0  }
0x1d: {  	s5 =	simm.s32 @p1 $0x1;
	p0 =	seq.s32 s7, s2  }
0x1e: {  	s7 =	smul.u32 @!p0 $0xF7A, s2;
	p2 =	seq.s32 @!p0 s5, $0x0  }
0x1f: {  	s9 =	smul.u32 $0xF7A, s1;
	s8 =	simm.s32 @!p0 $0x1BF5;
	p2 =	por !p2, p0  }
0x20: {  	[sflag:s8] =	ssyncset.s32 @!p0 $0xFFFFF086;
	s6 =	sadd.s32 @!p0 s3, s7;
	s7 =	simm.s32 @!p0 $0x108  }
0x21: {  	s3 =	sadd.s32 s3, s9;
	s6 =	sadd.s32 @!p0 $0x88, s6;
	s7 =	simm.s32 @p2 $0x1082  }
0x22: {  	[simem:s7], [sflag:s8] =	dma.local @!p0 [hbm:s6], $0xF7A  }
0x23: {  	s9 =	sor.u32 $0xD0000000, s2;
	s6 =	simm.s32 $0x108;
	_ =	swait.ge @!p0 [sflag:s8], $0x0  }
0x24: {  	s3 =	sadd.s32 $0x88, s3;
	s6 =	simm.s32 @!p1 $0x1082;
	[sflag:s4] =	ssyncset.s32 $0xFFFFF086  }
0x25: {  	[simem:s6], [sflag:s4] =	dma.local [hbm:s3], $0xF7A  }
0x26: {  	[smem:$0x3F9B] =	sst s1;
	(tag) =	ssettag s2;
	_ =	strace s9  }
0x27: {  	s1 =	sld [smem:$0x3FAB]  }
0x28: {  	s2 =	sld [smem:$0x3FAC]  }
0x29: {  	s4 =	sld [smem:$0x3FAE]  }
0x2a: {  	p0 =	seq.s32 s5, $0x0;
	s5 =	sld [smem:$0x3FAF]  }
0x2b: {  	s6 =	sld [smem:$0x3FB0]  }
0x2c: {  	s7 =	sld [smem:$0x3FB1]  }
0x2d: {  	s3 =	simm.s32 $0x108;
	s8 =	sld [smem:$0x3FB2]  }
0x2e: {  	s3 =	simm.s32 @!p0 $0x1082;
	s9 =	sld [smem:$0x3FB3]  }
0x2f: {  	lr =	sadd.s32 s0, s3;
	s0 =	sld [smem:$0x3FAA]  }
0x30: {  	s3 =	sld [smem:$0x3FAD]  }
0x31: {  	[smem:$0x3FB6] =	sst s10  }
0x32: {  	s10 =	sld [smem:$0x3FB4];
	_ =	sdelay $0x3  }
0x33: {  	p0 =	seq.s32 s10, $0x1;
	s10 =	sld [smem:$0x3FB6];
	_ =	sdelay $0x3  }
0x34: {  	[smem:$0x3FB6] =	sst s10  }
0x35: {  	s10 =	sld [smem:$0x3FB5];
	_ =	sdelay $0x3  }
0x36: {  	p1 =	seq.s32 s10, $0x1;
	s10 =	sld [smem:$0x3FB6];
	_ =	sdelay $0x3  }
0x37: {  	[smem:$0x3FB6] =	sst s10  }
0x38: {  	s10 =	sld [smem:$0x3FB7]  }
0x39: {  	_ = 	snop;
	(pc) =	sbr.ind lr, $3  }
0x3a: {  	_ = 	snop  }
0x3b: {  	_ = 	snop  }
0x3c: {  	p2 =	seq.s32 s10, $0x1;
	s10 =	sld [smem:$0x3FB6]  }
0x3d: {  	_ =	shalt  }
0x3e: {  	_ =	shalt  }
0x3f: {  	_ =	shalt  }
0x40: {  	_ =	shalt  }
0x41: {  	_ =	shalt  }
0x42: {  	_ =	shalt  }
0x43: {  	_ =	shalt  }
0x44: {  	_ =	shalt  }
0x45: {  	_ =	shalt  }
0x46: {  	_ =	shalt  }
0x47: {  	_ =	shalt  }
0x48: {  	_ =	shalt  }
0x49: {  	_ =	shalt  }
0x4a: {  	_ =	shalt  }
0x4b: {  	_ =	shalt  }
0x4c: {  	_ =	shalt  }
0x4d: {  	_ =	shalt  }
0x4e: {  	_ =	shalt  }
0x4f: {  	_ =	shalt  }
0x50: {  	_ =	shalt  }
0x51: {  	_ =	shalt  }
0x52: {  	_ =	shalt  }
0x53: {  	_ =	shalt  }
0x54: {  	_ =	shalt  }
0x55: {  	_ =	shalt  }
0x56: {  	_ =	shalt  }
0x57: {  	_ =	shalt  }
0x58: {  	_ =	shalt  }
0x59: {  	_ =	shalt  }
0x5a: {  	_ =	shalt  }
0x5b: {  	_ =	shalt  }
0x5c: {  	_ =	shalt  }
0x5d: {  	_ =	shalt  }
0x5e: {  	_ =	shalt  }
0x5f: {  	_ =	shalt  }
0x60: {  	_ =	shalt  }
0x61: {  	_ =	shalt  }
0x62: {  	_ =	shalt  }
0x63: {  	_ =	shalt  }
0x64: {  	_ =	shalt  }
0x65: {  	_ =	shalt  }
0x66: {  	_ =	shalt  }
0x67: {  	_ =	shalt  }
0x68: {  	_ =	shalt  }
0x69: {  	_ =	shalt  }
0x6a: {  	_ =	shalt  }
0x6b: {  	_ =	shalt  }
0x6c: {  	_ =	shalt  }
0x6d: {  	_ =	shalt  }
0x6e: {  	_ =	shalt  }
0x6f: {  	_ =	shalt  }
0x70: {  	_ =	shalt  }
0x71: {  	_ =	shalt  }
0x72: {  	_ =	shalt  }
0x73: {  	_ =	shalt  }
0x74: {  	_ =	shalt  }
0x75: {  	_ =	shalt  }
0x76: {  	_ =	shalt  }
0x77: {  	_ =	shalt  }
0x78: {  	_ =	shalt  }
0x79: {  	_ =	shalt  }
0x7a: {  	_ =	shalt  }
0x7b: {  	_ =	shalt  }
0x7c: {  	_ =	shalt  }
0x7d: {  	_ =	shalt  }
0x7e: {  	_ =	shalt  }
0x7f: {  	_ =	shalt  }
0x80: {  	_ =	shalt  }
0x81: {  	_ =	shalt  }
0x82: {  	_ =	shalt  }
0x83: {  	_ =	shalt  }
0x84: {  	_ =	shalt  }
0x85: {  	_ =	shalt  }
0x86: {  	_ =	shalt  }
0x87: {  	_ =	shalt  }
.Lfunc_end0:
.L_simem_size_0:
called_computation.1_lowered:
.L_overlay_start_0:
0x88: {  	s2 =	sld [smem:$0x3FD9]  }
0x89: {  	s3 =	sld [smem:$0x3FFE];
	_ =	sdelay $0x1  }
0x8a: {  	s1 =	srdreg.scid  }
0x8b: {  	s0 =	sand.u32 $0x1, s1  }
0x8c: {  	s17 =	sshll.u32 s0, $0xA;
	s2 =	sadd.s32 s3, s2  }
0x8d: {  	s2 =	sadd.s32 s2, s17  }
0x8e: {  	[smem:$0x3FC2] =	sst s2  }
0x8f: {  	_ = 	snop  }
0x90: {  	s2 =	sld [smem:$0x3FD0];
	(tm) =	ssettm $0x1  }
0x91: {  	s18 =	sld [smem:$0x3FFB];
	_ =	sdelay $0x3  }
0x92: {  	_ =	strace s18  }
0x93: {  	s3 =	sld [smem:$0x3FFC];
	_ =	sdelay $0x3  }
0x94: {  	_ =	strace s3  }
0x95: {  	s3 =	sld [smem:$0x3FFD];
	_ =	sdelay $0x3  }
0x96: {  	_ =	strace s3  }
0x97: {  	_ =	strace $0x8FFFFFFF  }
0x98: {  	s19 =	sld [smem:$0x3FDB];
	_ =	sdelay $0x1  }
0x99: {  	s4 =	simm.s32 $_scs_section_size  }
0x9a: {  	s5 =	simm.s32 $_size__tile_overlayer_lowered;
	s6 =	simm.s32 $_tile_overlayer_lowered  }
0x9b: {  	s22 =	simm.s32 $0x1BFF;
	s21 =	sshll.u32 s6, $0x1;
	s3 =	sadd.s32 s4, s19  }
0x9c: {  	s7 =	simm.s32 $0x0;
	s20 =	sshll.u32 s5, $0x1;
	s5 =	sadd.s32 s21, s3  }
0x9d: {  	[timem:s7], [sflag:s22] =	dma.local [hbm:s5], s20  }
0x9e: {  	_ =	swait.ge [sflag:s22], s20  }
0x9f: {  	s4 =	ssub.s32 $0x0, s20;
	[sflag:s22] =	ssyncset.done $0x0  }
0xa0: {  	[sflag:s22] =	ssyncadd.s32 s4;
	_ =	sdelay $0x1  }
0xa1: {  	s23 =	simm.s32 $0x1B8B  }
0xa2: {  	_ =	swait.ge [sflag:s23], $0x1  }
0xa3: {  	[sflag:s23] =	ssyncset.done $0x0  }
0xa4: {  	s25 =	simm.s32 $0x1B8E;
	s24 =	sld [smem:$0x3FFE];
	[sflag:s23] =	ssyncadd.s32 $0xFFFFFFFF  }
0xa5: {  	s26 =	simm.s32 $execute0_lowered;
	[smem:$0x3FD2] =	sst s25  }
0xa6: {  	s5 =	sshll.u32 s26, $0x1;
	_ =	strace $0x80000046;
	[dreg:$0x1] =	wrdreg $0xFFFFFFFF  }
0xa7: {  	s28 =	simm.s32 $_size_execute0_lowered;
	s3 =	sadd.s32 s3, s5;
	[dreg:$0x0] =	wrdreg $0x0  }
0xa8: {  	s5 =	sshll.u32 s28, $0x1;
	[dreg:$0x2] =	wrdreg s3  }
0xa9: {  	[dreg:$0x3] =	wrdreg s5  }
0xaa: {  	[dreg:$0x4] =	wrdreg $0xC0  }
0xab: {  	_ =	task [dreg:s7], $0x5FFFF  }
0xac: {  	[dreg:$0x1] =	wrdreg $0xFFFFFFFF  }
0xad: {  	[dreg:$0x0] =	wrdreg $0x60  }
0xae: {  	[dreg:$0x2] =	wrdreg s24  }
0xaf: {  	[dreg:$0x3] =	wrdreg s2  }
0xb0: {  	[dreg:$0x4] =	wrdreg $0x9  }
0xb1: {  	_ =	task.clear_ibuf [dreg:s7], $0x5FFFF;
	_ =	strace $0x90000046  }
0xb2: {  	s29 =	simm.s32 $0x9;
	_ =	strace $0x80000048  }
0xb3: {  	_ =	swait.ge [sflag:s29], $0x1  }
0xb4: {  	[sflag:s29] =	ssyncadd.s32 $0xFFFFFFFF  }
0xb5: {  	_ =	strace $0x90000048  }
0xb6: {  	_ =	sfence  }
0xb7: {  	s30 =	sld [smem:$0x0];
	_ =	sdelay $0x2  }
0xb8: {  	s31 =	sshll.u32 s1, $0xD;
	s1 =	sshrl.u32 s1, $0x2  }
0xb9: {  	s3 =	sand.u32 $0x4000, s31;
	s1 =	sadd.s32 s1, s30  }
0xba: {  	s0 =	sor.u32 s3, s0;
	s1 =	sshll.u32 s1, $0x11  }
0xbb: {  	s0 =	sor.u32 s1, s0  }
0xbc: {  	s0 =	sadd.s32 $0x8F2B, s0  }
0xbd: {  	[sflag:s0] =	ssyncadd.remote.s32 $0x1  }
0xbe: {  	_ =	sfence.sel $0xFFFF  }
0xbf: {  	[dreg:$0x0] =	wrdreg $0xFFFFFFFF;
	(pc) =	sbr.abs _section_cstart, $3  }
0xc0: {  	[dreg:$0x1] =	wrdreg $0xFFFFFFFF  }
0xc1: {  	_ =	task.clear_ibuf [dreg:s7], $0x2FFFF;
	_ =	strace $0x9FFFFFFF  }
0xc2: {  	(tm) =	ssettm $0x7FFFFFFF  }
0xc3: {  	_ =	shalt  }
tec
execute0_lowered:
.L_overlay_start_1:
0x0: {  	(tag) =	ssettag $0x1  }
0x1: {  	s0 =	srdreg.scid  }
0x2: {  	s4 =	rddreg [dreg:$0x0];
	s3 =	sand.u32 $0x1, s0  }
0x3: {  	s5 =	rddreg [dreg:$0x1];
	s0 =	stileid.u32;
	s1 =	sshll.u32 s3, $0x4  }
0x4: {  	s2 =	simm.s32 $0x0;
	s9 =	simm.s32 $0x400;
	s6 =	sor.u32 s0, s1  }
0x5: {  	s10 =	simm.s32 $0x0;
	[smem:$0x7FF] =	sst s2;
	s7 =	sshrl.u32 s6, $0x3  }
0x6: {  	s8 =	sshll.u32 s0, $0x7;
	s3 =	ssub.s32 $0x2, s3;
	s7 =	smul.u32 $0x13C00, s7  }
0x7: {  	s1 =	rddreg [dreg:$0x2];
	s8 =	sand.u32 $0x380, s8;
	s6 =	smul.u32 $0x2780, s6  }
0x8: {  	_ =	strace $0x80000047;
	s31 =	sshrl.u32 s3, $0x1;
	s7 =	sor.u32 s8, s7  }
0x9: {  	s4 =	sadd.s32 s6, s4;
	s6 =	ssub.s32 s3, s31;
	s7 =	sshrl.u32 s7, $0x3  }
0xa: {  	s3 =	sadd.s32 $0x2800, s4;
	s8 =	simm.s32 $0x80;
	s4 =	sadd.s32 s5, s7  }
0xb: {  	v0 =	vimm.f32 $0.0e+00;
	v1 =	vimm.f32 $1.000000000e+00;
	s5 =	smax.u32 s6, $0x1;
	s6 =	simm.s32 $0x1;
	s7 =	simm.s32 $0x13C00  }
.LBB2_1:
0xc: {  	[tilespmem:s2], [sflag:$0x1] =	stream.linear.gather [hbm4b:s3+s2], $0x13880, $0x38;
	[tilespmem:$0x16380] =	vst v63  }
0xd: {  	_ =	swait.ge [sflag:s6], $0x13880  }
0xe: {  	[sflag:s6] =	ssyncset.done $0x0  }
0xf: {  	s11 =	simm.s32 $0x0;
	[sflag:s6] =	ssyncadd.s32 $0xFFFEC780  }
.LBB2_2:
0x10: {  	p0 =	sne.s32 s11, $0x9DC0  }
.Ltmp0:
0x11: {  	_ = 	snop;
	(pc) =	sbr.rel @p0 .LBB2_2-.Ltmp0, $3  }
0x12: {  	_ =	sdelay $0x1  }
0x13: {  	s12 =	sshra.s32 s11, $0x2  }
0x14: {  	s11 =	sadd.s32 $0x40, s11;
	[tilespmem:s12+$0x13C00] =	vst v0  }
0x15: {  	s12 =	simm.s32 $0x0;
	s11 =	simm.s32 $0x200  }
.LBB2_4:
0x16: {  	p0 =	sne.s32 s11, $0x4E000;
	v2 =	vld [tilespmem:s12+$0x0];
	_ =	sdelay $0x3  }
.Ltmp1:
0x17: {  	(pc) =	sbr.rel @p0 .LBB2_4-.Ltmp1, $2  }
0x18: {  	_ =	sdelay $0x2  }
0x19: {  	s12 =	sshra.s32 s11, $0x2;
	s11 =	sadd.s32 $0x200, s11;
	[tilespmem:v2+s7+$0x0] =	vst.idx.add.f32.msk $0xffff, v1  }
0x1a: {  	v2 =	vld [tilespmem:s12+$0x0];
	_ =	sdelay $0x5  }
0x1b: {  	s10 =	sadd.s32 $0x1, s10  }
0x1c: {  	p0 =	sne.s32 s10, s5  }
.Ltmp2:
0x1d: {  	[tilespmem:v2+s7+$0x0] =	vst.idx.add.f32.msk $0xffff, v1;
	(pc) =	sbr.rel @p0 .LBB2_1-.Ltmp2, $4  }
0x1e: {  	[hbm4b:s4+s8] =	stream.strided.scatter [tilespmem:s7], [sflag:$0x1], $0x2780, s9, s8, $0x38;
	[tilespmem:$0x16380] =	vst v63  }
0x1f: {  	_ =	swait.ge [sflag:s6], $0x2780  }
0x20: {  	[sflag:s6] =	ssyncset.done $0x0  }
0x21: {  	[sflag:s6] =	ssyncadd.s32 $0xFFFFD880  }
0x22: {  	_ =	sfence.sel $0x180000  }
0x23: {  	[bflag:$0x0] =	sbarrier.arrive $0xFFFF  }
0x24: {  	p0 =	sne.s32 s0, $0x0;
	_ =	strace $0x90000047  }
0x25: {  	s0 =	sadd.s32 @!p0 $0x100000, s1;
	[bflag:$0x2] =	sbarrier.arrive $0xFFFF  }
0x26: {  	[sflag:s0] =	ssyncadd.tile.s32 @!p0 $0x1;
	_ =	shalt  }
.Lfunc_end2:
_tile_overlayer_lowered:
.L_overlay_start_2:
0x27: {  	(tag) =	ssettag $0x2  }
0x28: {  	s0 =	rddreg [dreg:$0x0];
	s2 =	stileid.u32  }
0x29: {  	s1 =	rddreg [dreg:$0x1];
	p0 =	sne.s32 s2, $0x0  }
0x2a: {  	s3 =	rddreg [dreg:$0x2];
	[bflag:$0x3] =	sbarrier.arrive $0xFFFF;
	s2 =	simm.s32 @!p0 $0x1C01  }
0x2b: {  	[timem:s3], [sflag:s2] =	dma.local @!p0 [hbm:s0], s1  }
0x2c: {  	s0 =	simm.s32 @!p0 $0x1  }
0x2d: {  	_ =	swait.ge @!p0 [sflag:s0], s1  }
0x2e: {  	s1 =	ssub.s32 @!p0 $0x0, s1;
	[sflag:s0] =	ssyncset.done @!p0 $0x0  }
0x2f: {  	[sflag:s0] =	ssyncadd.s32 @!p0 s1  }
0x30: {  	[bflag:$0x3] =	sbarrier.arrive $0xFFFF  }
0x31: {  	_ =	shalt  }

</sc_bundles>
